<compile_context>
chip_gen: v7x
topology: tpu7x:2x2x1
jax: 0.10.2.dev20260603
libtpu: 0.0.44.dev20260713+nightly
codegen_flags: <defaults>
</compile_context>

<pallas_src>
import functools

import jax
import jax.numpy as jnp
from jax import lax
from jax.experimental import pallas as pl
from jax.experimental.pallas import tpu as pltpu
from jax.experimental.pallas import tpu_sc as plsc


PATCH_LEN = 32
NW = 32


def _sc_attr_body(w_hbm, dist2_hbm, ea_hbm, wv, dist_v, tmpl_v, sem):
    wid = lax.axis_index("s") * 2 + lax.axis_index("c")
    e2 = dist_v.shape[0]
    tw = tmpl_v.shape[0]
    pltpu.sync_copy(w_hbm, wv)
    pltpu.sync_copy(dist2_hbm, dist_v)
    for j in range(e2 // 16):
        idx = dist_v[pl.ds(j * 16, 16)]
        tmpl_v[pl.ds(j * 16, 16)] = plsc.load_gather(wv, [idx])
    sz = e2
    while sz < tw:
        iters = sz // 16
        if iters <= 64:
            for t in range(iters):
                tmpl_v[pl.ds(sz + t * 16, 16)] = tmpl_v[pl.ds(t * 16, 16)]
        else:
            u = 8 if iters % 8 == 0 else (4 if iters % 4 == 0 else 2)
            def cp(t, c, base=sz, uu=u):
                for k in range(uu):
                    off = (t * uu + k) * 16
                    tmpl_v[pl.ds(base + off, 16)] = tmpl_v[pl.ds(off, 16)]
                return c
            lax.fori_loop(0, iters // u, cp, 0)
        sz *= 2
    chunks = ea_hbm.shape[0] // (tw * NW)
    copies = [
        pltpu.make_async_copy(
            tmpl_v, ea_hbm.at[pl.ds((wid * chunks + j) * tw, tw)], sem)
        for j in range(chunks)
    ]
    for c in copies:
        c.start()
    for c in copies:
        c.wait()


def _tc_body(tY_ref, iq_ref, nf_ref, ei_ref, bt_ref):
    i = pl.program_id(0)

    reps = ei_ref.shape[0] // tY_ref.shape[0]
    rep = jax.lax.broadcasted_iota(jnp.int32, (reps, 1, 1), 0)
    ei = tY_ref[...][None] + (rep + i * reps) * (64 * PATCH_LEN)
    ei_ref[...] = ei.reshape(ei_ref.shape)

    bp = bt_ref.shape[0]
    p = jax.lax.broadcasted_iota(jnp.int32, (bp, 128), 0)
    c = jax.lax.broadcasted_iota(jnp.int32, (bp, 128), 1)
    bt_ref[...] = (i * bp + p) * 4 + jax.lax.shift_right_logical(c, 5)

    x = iq_ref[...]
    bb, _, L = x.shape
    z = x.reshape(bb, 2, L // 128, 128).transpose(0, 2, 1, 3)
    nf_ref[...] = z.reshape(bb * (L // 128) * 2, 128)


def kernel(iq_signal, edge_weights, edge_index, edge_distance):
    B, _, L = iq_signal.shape
    P = L // PATCH_LEN
    G = B * P
    E = edge_index.shape[1]
    idt = edge_index.dtype

    offs = (jnp.arange(64, dtype=jnp.int32) * PATCH_LEN)[None, :, None]
    v = (edge_index.astype(jnp.int32)[:, None, :] + offs).reshape(2, 64 * E)
    tY = v.reshape(2, 64 * E // 128, 128).transpose(1, 0, 2).reshape(E, 128)

    STEPS = 16
    YR = 2 * G * E // 128
    BR = G * PATCH_LEN // 128
    ZR = 2 * B * L // 128

    z, ei, bt = pl.pallas_call(
        _tc_body,
        grid=(STEPS,),
        in_specs=[
            pl.BlockSpec((E, 128), lambda i: (0, 0)),
            pl.BlockSpec((B // STEPS, 2, L), lambda i: (i, 0, 0)),
        ],
        out_specs=[
            pl.BlockSpec((ZR // STEPS, 128), lambda i: (i, 0)),
            pl.BlockSpec((YR // STEPS, 128), lambda i: (i, 0)),
            pl.BlockSpec((BR // STEPS, 128), lambda i: (i, 0)),
        ],
        out_shape=[
            jax.ShapeDtypeStruct((ZR, 128), jnp.float32),
            jax.ShapeDtypeStruct((YR, 128), jnp.int32),
            jax.ShapeDtypeStruct((BR, 128), jnp.int32),
        ],
    )(tY, iq_signal)

    w16 = jnp.pad(edge_weights, (0, 8))
    dist2 = jnp.tile(edge_distance.astype(jnp.int32), 2)
    ea = pl.kernel(
        _sc_attr_body,
        out_type=jax.ShapeDtypeStruct((G * E,), jnp.float32),
        mesh=plsc.VectorSubcoreMesh(core_axis_name="c", subcore_axis_name="s"),
        scratch_types=[
            pltpu.VMEM((16,), jnp.float32),
            pltpu.VMEM((2 * E,), jnp.int32),
            pltpu.VMEM((64 * E,), jnp.float32),
            pltpu.SemaphoreType.DMA,
        ],
        compiler_params=pltpu.CompilerParams(needs_layout_passes=False),
    )(w16, dist2)

    node_features = z.reshape(B * L // 128, 2, 128).transpose(0, 2, 1).reshape(
        B * L, 2)
    batch_edge_index = ei.reshape(G * E // 128, 2, 128).transpose(1, 0, 2).reshape(
        2, G * E).astype(idt)
    batch_edge_attr = ea
    batch = bt.reshape(G * PATCH_LEN).astype(idt)
    return (node_features, batch_edge_index, batch_edge_attr, batch)

# --- scband reference (transcript-rebuilt; emitter-appended) ---
"""Pipeline reference for scband-fctf-90082644066746 (READ-ONLY COPY).

The authoritative reference and input builder live on the scoring server;
editing this copy changes nothing except your own understanding.
"""

import jax, jax.numpy as jnp
import numpy as np

PATCH_LENGTH = 32
PATCH_STRIDE = 32
LOCAL_WINDOW = 8
SIGNAL_LENGTH = 4096
BATCH = 128
NUM_PATCHES = (SIGNAL_LENGTH - PATCH_LENGTH) // PATCH_STRIDE + 1


def _build_edges():
    src, dst, dist = [], [], []
    for i in range(PATCH_LENGTH):
        for j in range(PATCH_LENGTH):
            d = abs(i - j)
            if 0 < d <= LOCAL_WINDOW:
                src.append(i)
                dst.append(j)
                dist.append(d - 1)
    edge_index = np.stack([np.array(src), np.array(dst)], axis=0).astype(np.int64)
    edge_distance = np.array(dist, dtype=np.int64)
    return jnp.asarray(edge_index), jnp.asarray(edge_distance)


def setup_inputs(seed: int = 0) -> dict:
    key = jax.random.key(seed)
    k1, k2 = jax.random.split(key)
    iq_signal = jax.random.normal(k1, (BATCH, 2, SIGNAL_LENGTH), dtype=jnp.float32)
    edge_weights = jax.random.normal(k2, (LOCAL_WINDOW,), dtype=jnp.float32)
    edge_index, edge_distance = _build_edges()
    return {
        "iq_signal": iq_signal,
        "edge_weights": edge_weights,
        "edge_index": edge_index,
        "edge_distance": edge_distance,
    }


def reference(iq_signal, edge_weights, edge_index, edge_distance):
    # torch: if [B, 2, L] -> transpose to [B, L, 2]
    if iq_signal.ndim == 3 and iq_signal.shape[1] == 2:
        iq_signal = jnp.transpose(iq_signal, (0, 2, 1))
    batch_size = iq_signal.shape[0]
    # iq_signal_t = iq_signal.transpose(1, 2) -> [B, 2, L]
    iq_t = jnp.transpose(iq_signal, (0, 2, 1))
    # F.unfold with kernel (1, patch_length), stride (1, patch_stride)
    patch_starts = jnp.arange(NUM_PATCHES) * PATCH_STRIDE
    gather_idx = patch_starts[:, None] + jnp.arange(PATCH_LENGTH)[None, :]  # [P, pl]
    patches = iq_t[:, :, gather_idx]  # [B, 2, P, pl] (gather along signal dim)
    # stack channels last: [B, P, pl, 2]
    patches = jnp.transpose(patches, (0, 2, 3, 1))
    node_features = patches.reshape(-1, 2)
    num_graphs = batch_size * NUM_PATCHES
    graph_offsets = (jnp.arange(num_graphs, dtype=edge_index.dtype) * PATCH_LENGTH)
    # [2, E] -> [2, G, E] + offsets broadcast, reshape [2, G*E]
    batch_edge_index = (edge_index[:, None, :] + graph_offsets[None, :, None]).reshape(2, -1)
    edge_attr = edge_weights[edge_distance]
    batch_edge_attr = jnp.tile(edge_attr, num_graphs)
    batch = jnp.repeat(jnp.arange(num_graphs, dtype=jnp.int64), PATCH_LENGTH)
    return (node_features, batch_edge_index, batch_edge_attr, batch)

if __name__ == "__main__":
    import jax
    _d = setup_inputs()
    print(jax.jit(kernel)(*tuple(_d.values())))

</pallas_src>

<mosaic_0001>
#map = affine_map<(d0, d1) -> (0)>
module attributes {stable_mosaic.version = 14 : i64} {
  func.func @_sc_attr_body(%arg0: i32, %arg1: i32, %arg2: memref<16xf32, #tpu.memory_space<hbm>>, %arg3: memref<880xi32, #tpu.memory_space<hbm>>, %arg4: memref<7208960xf32, #tpu.memory_space<hbm>>, %arg5: memref<16xf32, #tpu.memory_space<vmem>>, %arg6: memref<880xi32, #tpu.memory_space<vmem>>, %arg7: memref<28160xf32, #tpu.memory_space<vmem>>, %arg8: memref<!tpu.dma_semaphore, #tpu.memory_space<semaphore_mem>>) attributes {dimension_semantics = [#tpu.dimension_semantics<core_parallel>, #tpu.dimension_semantics<subcore_parallel>], iteration_bounds = array<i64: 2, 16>, scalar_prefetch = 0 : i64, scratch_operands = 4 : i64, tpu.core_type = #tpu.core_type<sc_vector_subcore>, window_params = [{transform_indices = #map}, {transform_indices = #map}, {transform_indices = #map}]} {
    %mul3A = arith.constant 2 : i32
    %mul3A_0 = arith.muli %arg1, %mul3A : i32
    %add3A = arith.addi %mul3A_0, %arg0 : i32
    "tpu.region"() ({
      %run_scoped3A = tpu.sem_alloc : memref<!tpu.dma_semaphore, #tpu.memory_space<semaphore_mem>>
      tpu.enqueue_dma source(%arg2 : memref<16xf32, #tpu.memory_space<hbm>>) target(%arg5 : memref<16xf32, #tpu.memory_space<vmem>>) target_semaphore(%run_scoped3A : memref<!tpu.dma_semaphore, #tpu.memory_space<semaphore_mem>>)
      tpu.wait_dma2 semaphore(%run_scoped3A : memref<!tpu.dma_semaphore, #tpu.memory_space<semaphore_mem>>) src(%arg2 : memref<16xf32, #tpu.memory_space<hbm>>) dst(%arg5 : memref<16xf32, #tpu.memory_space<vmem>>)
      tpu.yield
    }) : () -> ()
    "tpu.region"() ({
      %run_scoped3A = tpu.sem_alloc : memref<!tpu.dma_semaphore, #tpu.memory_space<semaphore_mem>>
      tpu.enqueue_dma source(%arg3 : memref<880xi32, #tpu.memory_space<hbm>>) target(%arg6 : memref<880xi32, #tpu.memory_space<vmem>>) target_semaphore(%run_scoped3A : memref<!tpu.dma_semaphore, #tpu.memory_space<semaphore_mem>>)
      tpu.wait_dma2 semaphore(%run_scoped3A : memref<!tpu.dma_semaphore, #tpu.memory_space<semaphore_mem>>) src(%arg3 : memref<880xi32, #tpu.memory_space<hbm>>) dst(%arg6 : memref<880xi32, #tpu.memory_space<vmem>>)
      tpu.yield
    }) : () -> ()
    %get3A = arith.constant 0 : index
    %get3A_1 = tpu.vector_load %arg6[%get3A] {strides = array<i32>} : memref<880xi32, #tpu.memory_space<vmem>>, vector<16xi32>,
    %gather3A = tpu.vector_load_idx %arg5[%get3A_1] : memref<16xf32, #tpu.memory_space<vmem>>[vector<16xi32>], vector<16xf32>,
    %swap3A = arith.constant 0 : index
    %swap3A_2 = tpu.vector_load %arg7[%swap3A] {strides = array<i32>} : memref<28160xf32, #tpu.memory_space<vmem>>, vector<16xf32>,
    tpu.vector_store %arg7[%swap3A], %gather3A {strides = array<i32>} : memref<28160xf32, #tpu.memory_space<vmem>>, vector<16xf32>,
    %get3A_3 = arith.constant 16 : index
    %get3A_4 = tpu.vector_load %arg6[%get3A_3] {strides = array<i32>} : memref<880xi32, #tpu.memory_space<vmem>>, vector<16xi32>,
    %gather3A_5 = tpu.vector_load_idx %arg5[%get3A_4] : memref<16xf32, #tpu.memory_space<vmem>>[vector<16xi32>], vector<16xf32>,
    %swap3A_6 = arith.constant 16 : index
    %swap3A_7 = tpu.vector_load %arg7[%swap3A_6] {strides = array<i32>} : memref<28160xf32, #tpu.memory_space<vmem>>, vector<16xf32>,
    tpu.vector_store %arg7[%swap3A_6], %gather3A_5 {strides = array<i32>} : memref<28160xf32, #tpu.memory_space<vmem>>, vector<16xf32>,
    %get3A_8 = arith.constant 32 : index
    %get3A_9 = tpu.vector_load %arg6[%get3A_8] {strides = array<i32>} : memref<880xi32, #tpu.memory_space<vmem>>, vector<16xi32>,
    %gather3A_10 = tpu.vector_load_idx %arg5[%get3A_9] : memref<16xf32, #tpu.memory_space<vmem>>[vector<16xi32>], vector<16xf32>,
    %swap3A_11 = arith.constant 32 : index
    %swap3A_12 = tpu.vector_load %arg7[%swap3A_11] {strides = array<i32>} : memref<28160xf32, #tpu.memory_space<vmem>>, vector<16xf32>,
    tpu.vector_store %arg7[%swap3A_11], %gather3A_10 {strides = array<i32>} : memref<28160xf32, #tpu.memory_space<vmem>>, vector<16xf32>,
    %get3A_13 = arith.constant 48 : index
    %get3A_14 = tpu.vector_load %arg6[%get3A_13] {strides = array<i32>} : memref<880xi32, #tpu.memory_space<vmem>>, vector<16xi32>,
    %gather3A_15 = tpu.vector_load_idx %arg5[%get3A_14] : memref<16xf32, #tpu.memory_space<vmem>>[vector<16xi32>], vector<16xf32>,
    %swap3A_16 = arith.constant 48 : index
    %swap3A_17 = tpu.vector_load %arg7[%swap3A_16] {strides = array<i32>} : memref<28160xf32, #tpu.memory_space<vmem>>, vector<16xf32>,
    tpu.vector_store %arg7[%swap3A_16], %gather3A_15 {strides = array<i32>} : memref<28160xf32, #tpu.memory_space<vmem>>, vector<16xf32>,
    %get3A_18 = arith.constant 64 : index
    %get3A_19 = tpu.vector_load %arg6[%get3A_18] {strides = array<i32>} : memref<880xi32, #tpu.memory_space<vmem>>, vector<16xi32>,
    %gather3A_20 = tpu.vector_load_idx %arg5[%get3A_19] : memref<16xf32, #tpu.memory_space<vmem>>[vector<16xi32>], vector<16xf32>,
    %swap3A_21 = arith.constant 64 : index
    %swap3A_22 = tpu.vector_load %arg7[%swap3A_21] {strides = array<i32>} : memref<28160xf32, #tpu.memory_space<vmem>>, vector<16xf32>,
    tpu.vector_store %arg7[%swap3A_21], %gather3A_20 {strides = array<i32>} : memref<28160xf32, #tpu.memory_space<vmem>>, vector<16xf32>,
    %get3A_23 = arith.constant 80 : index
    %get3A_24 = tpu.vector_load %arg6[%get3A_23] {strides = array<i32>} : memref<880xi32, #tpu.memory_space<vmem>>, vector<16xi32>,
    %gather3A_25 = tpu.vector_load_idx %arg5[%get3A_24] : memref<16xf32, #tpu.memory_space<vmem>>[vector<16xi32>], vector<16xf32>,
    %swap3A_26 = arith.constant 80 : index
    %swap3A_27 = tpu.vector_load %arg7[%swap3A_26] {strides = array<i32>} : memref<28160xf32, #tpu.memory_space<vmem>>, vector<16xf32>,
    tpu.vector_store %arg7[%swap3A_26], %gather3A_25 {strides = array<i32>} : memref<28160xf32, #tpu.memory_space<vmem>>, vector<16xf32>,
    %get3A_28 = arith.constant 96 : index
    %get3A_29 = tpu.vector_load %arg6[%get3A_28] {strides = array<i32>} : memref<880xi32, #tpu.memory_space<vmem>>, vector<16xi32>,
    %gather3A_30 = tpu.vector_load_idx %arg5[%get3A_29] : memref<16xf32, #tpu.memory_space<vmem>>[vector<16xi32>], vector<16xf32>,
    %swap3A_31 = arith.constant 96 : index
    %swap3A_32 = tpu.vector_load %arg7[%swap3A_31] {strides = array<i32>} : memref<28160xf32, #tpu.memory_space<vmem>>, vector<16xf32>,
    tpu.vector_store %arg7[%swap3A_31], %gather3A_30 {strides = array<i32>} : memref<28160xf32, #tpu.memory_space<vmem>>, vector<16xf32>,
    %get3A_33 = arith.constant 112 : index
    %get3A_34 = tpu.vector_load %arg6[%get3A_33] {strides = array<i32>} : memref<880xi32, #tpu.memory_space<vmem>>, vector<16xi32>,
    %gather3A_35 = tpu.vector_load_idx %arg5[%get3A_34] : memref<16xf32, #tpu.memory_space<vmem>>[vector<16xi32>], vector<16xf32>,
    %swap3A_36 = arith.constant 112 : index
    %swap3A_37 = tpu.vector_load %arg7[%swap3A_36] {strides = array<i32>} : memref<28160xf32, #tpu.memory_space<vmem>>, vector<16xf32>,
    tpu.vector_store %arg7[%swap3A_36], %gather3A_35 {strides = array<i32>} : memref<28160xf32, #tpu.memory_space<vmem>>, vector<16xf32>,
    %get3A_38 = arith.constant 128 : index
    %get3A_39 = tpu.vector_load %arg6[%get3A_38] {strides = array<i32>} : memref<880xi32, #tpu.memory_space<vmem>>, vector<16xi32>,
    %gather3A_40 = tpu.vector_load_idx %arg5[%get3A_39] : memref<16xf32, #tpu.memory_space<vmem>>[vector<16xi32>], vector<16xf32>,
    %swap3A_41 = arith.constant 128 : index
    %swap3A_42 = tpu.vector_load %arg7[%swap3A_41] {strides = array<i32>} : memref<28160xf32, #tpu.memory_space<vmem>>, vector<16xf32>,
    tpu.vector_store %arg7[%swap3A_41], %gather3A_40 {strides = array<i32>} : memref<28160xf32, #tpu.memory_space<vmem>>, vector<16xf32>,
    %get3A_43 = arith.constant 144 : index
    %get3A_44 = tpu.vector_load %arg6[%get3A_43] {strides = array<i32>} : memref<880xi32, #tpu.memory_space<vmem>>, vector<16xi32>,
    %gather3A_45 = tpu.vector_load_idx %arg5[%get3A_44] : memref<16xf32, #tpu.memory_space<vmem>>[vector<16xi32>], vector<16xf32>,
    %swap3A_46 = arith.constant 144 : index
    %swap3A_47 = tpu.vector_load %arg7[%swap3A_46] {strides = array<i32>} : memref<28160xf32, #tpu.memory_space<vmem>>, vector<16xf32>,
    tpu.vector_store %arg7[%swap3A_46], %gather3A_45 {strides = array<i32>} : memref<28160xf32, #tpu.memory_space<vmem>>, vector<16xf32>,
    %get3A_48 = arith.constant 160 : index
    %get3A_49 = tpu.vector_load %arg6[%get3A_48] {strides = array<i32>} : memref<880xi32, #tpu.memory_space<vmem>>, vector<16xi32>,
    %gather3A_50 = tpu.vector_load_idx %arg5[%get3A_49] : memref<16xf32, #tpu.memory_space<vmem>>[vector<16xi32>], vector<16xf32>,
    %swap3A_51 = arith.constant 160 : index
    %swap3A_52 = tpu.vector_load %arg7[%swap3A_51] {strides = array<i32>} : memref<28160xf32, #tpu.memory_space<vmem>>, vector<16xf32>,
    tpu.vector_store %arg7[%swap3A_51], %gather3A_50 {strides = array<i32>} : memref<28160xf32, #tpu.memory_space<vmem>>, vector<16xf32>,
    %get3A_53 = arith.constant 176 : index
    %get3A_54 = tpu.vector_load %arg6[%get3A_53] {strides = array<i32>} : memref<880xi32, #tpu.memory_space<vmem>>, vector<16xi32>,
    %gather3A_55 = tpu.vector_load_idx %arg5[%get3A_54] : memref<16xf32, #tpu.memory_space<vmem>>[vector<16xi32>], vector<16xf32>,
    %swap3A_56 = arith.constant 176 : index
    %swap3A_57 = tpu.vector_load %arg7[%swap3A_56] {strides = array<i32>} : memref<28160xf32, #tpu.memory_space<vmem>>, vector<16xf32>,
    tpu.vector_store %arg7[%swap3A_56], %gather3A_55 {strides = array<i32>} : memref<28160xf32, #tpu.memory_space<vmem>>, vector<16xf32>,
    %get3A_58 = arith.constant 192 : index
    %get3A_59 = tpu.vector_load %arg6[%get3A_58] {strides = array<i32>} : memref<880xi32, #tpu.memory_space<vmem>>, vector<16xi32>,
    %gather3A_60 = tpu.vector_load_idx %arg5[%get3A_59] : memref<16xf32, #tpu.memory_space<vmem>>[vector<16xi32>], vector<16xf32>,
    %swap3A_61 = arith.constant 192 : index
    %swap3A_62 = tpu.vector_load %arg7[%swap3A_61] {strides = array<i32>} : memref<28160xf32, #tpu.memory_space<vmem>>, vector<16xf32>,
    tpu.vector_store %arg7[%swap3A_61], %gather3A_60 {strides = array<i32>} : memref<28160xf32, #tpu.memory_space<vmem>>, vector<16xf32>,
    %get3A_63 = arith.constant 208 : index
    %get3A_64 = tpu.vector_load %arg6[%get3A_63] {strides = array<i32>} : memref<880xi32, #tpu.memory_space<vmem>>, vector<16xi32>,
    %gather3A_65 = tpu.vector_load_idx %arg5[%get3A_64] : memref<16xf32, #tpu.memory_space<vmem>>[vector<16xi32>], vector<16xf32>,
    %swap3A_66 = arith.constant 208 : index
    %swap3A_67 = tpu.vector_load %arg7[%swap3A_66] {strides = array<i32>} : memref<28160xf32, #tpu.memory_space<vmem>>, vector<16xf32>,
    tpu.vector_store %arg7[%swap3A_66], %gather3A_65 {strides = array<i32>} : memref<28160xf32, #tpu.memory_space<vmem>>, vector<16xf32>,
    %get3A_68 = arith.constant 224 : index
    %get3A_69 = tpu.vector_load %arg6[%get3A_68] {strides = array<i32>} : memref<880xi32, #tpu.memory_space<vmem>>, vector<16xi32>,
    %gather3A_70 = tpu.vector_load_idx %arg5[%get3A_69] : memref<16xf32, #tpu.memory_space<vmem>>[vector<16xi32>], vector<16xf32>,
    %swap3A_71 = arith.constant 224 : index
    %swap3A_72 = tpu.vector_load %arg7[%swap3A_71] {strides = array<i32>} : memref<28160xf32, #tpu.memory_space<vmem>>, vector<16xf32>,
    tpu.vector_store %arg7[%swap3A_71], %gather3A_70 {strides = array<i32>} : memref<28160xf32, #tpu.memory_space<vmem>>, vector<16xf32>,
    %get3A_73 = arith.constant 240 : index
    %get3A_74 = tpu.vector_load %arg6[%get3A_73] {strides = array<i32>} : memref<880xi32, #tpu.memory_space<vmem>>, vector<16xi32>,
    %gather3A_75 = tpu.vector_load_idx %arg5[%get3A_74] : memref<16xf32, #tpu.memory_space<vmem>>[vector<16xi32>], vector<16xf32>,
    %swap3A_76 = arith.constant 240 : index
    %swap3A_77 = tpu.vector_load %arg7[%swap3A_76] {strides = array<i32>} : memref<28160xf32, #tpu.memory_space<vmem>>, vector<16xf32>,
    tpu.vector_store %arg7[%swap3A_76], %gather3A_75 {strides = array<i32>} : memref<28160xf32, #tpu.memory_space<vmem>>, vector<16xf32>,
    %get3A_78 = arith.constant 256 : index
    %get3A_79 = tpu.vector_load %arg6[%get3A_78] {strides = array<i32>} : memref<880xi32, #tpu.memory_space<vmem>>, vector<16xi32>,
    %gather3A_80 = tpu.vector_load_idx %arg5[%get3A_79] : memref<16xf32, #tpu.memory_space<vmem>>[vector<16xi32>], vector<16xf32>,
    %swap3A_81 = arith.constant 256 : index
    %swap3A_82 = tpu.vector_load %arg7[%swap3A_81] {strides = array<i32>} : memref<28160xf32, #tpu.memory_space<vmem>>, vector<16xf32>,
    tpu.vector_store %arg7[%swap3A_81], %gather3A_80 {strides = array<i32>} : memref<28160xf32, #tpu.memory_space<vmem>>, vector<16xf32>,
    %get3A_83 = arith.constant 272 : index
    %get3A_84 = tpu.vector_load %arg6[%get3A_83] {strides = array<i32>} : memref<880xi32, #tpu.memory_space<vmem>>, vector<16xi32>,
    %gather3A_85 = tpu.vector_load_idx %arg5[%get3A_84] : memref<16xf32, #tpu.memory_space<vmem>>[vector<16xi32>], vector<16xf32>,
    %swap3A_86 = arith.constant 272 : index
    %swap3A_87 = tpu.vector_load %arg7[%swap3A_86] {strides = array<i32>} : memref<28160xf32, #tpu.memory_space<vmem>>, vector<16xf32>,
    tpu.vector_store %arg7[%swap3A_86], %gather3A_85 {strides = array<i32>} : memref<28160xf32, #tpu.memory_space<vmem>>, vector<16xf32>,
    %get3A_88 = arith.constant 288 : index
    %get3A_89 = tpu.vector_load %arg6[%get3A_88] {strides = array<i32>} : memref<880xi32, #tpu.memory_space<vmem>>, vector<16xi32>,
    %gather3A_90 = tpu.vector_load_idx %arg5[%get3A_89] : memref<16xf32, #tpu.memory_space<vmem>>[vector<16xi32>], vector<16xf32>,
    %swap3A_91 = arith.constant 288 : index
    %swap3A_92 = tpu.vector_load %arg7[%swap3A_91] {strides = array<i32>} : memref<28160xf32, #tpu.memory_space<vmem>>, vector<16xf32>,
    tpu.vector_store %arg7[%swap3A_91], %gather3A_90 {strides = array<i32>} : memref<28160xf32, #tpu.memory_space<vmem>>, vector<16xf32>,
    %get3A_93 = arith.constant 304 : index
    %get3A_94 = tpu.vector_load %arg6[%get3A_93] {strides = array<i32>} : memref<880xi32, #tpu.memory_space<vmem>>, vector<16xi32>,
    %gather3A_95 = tpu.vector_load_idx %arg5[%get3A_94] : memref<16xf32, #tpu.memory_space<vmem>>[vector<16xi32>], vector<16xf32>,
    %swap3A_96 = arith.constant 304 : index
    %swap3A_97 = tpu.vector_load %arg7[%swap3A_96] {strides = array<i32>} : memref<28160xf32, #tpu.memory_space<vmem>>, vector<16xf32>,
    tpu.vector_store %arg7[%swap3A_96], %gather3A_95 {strides = array<i32>} : memref<28160xf32, #tpu.memory_space<vmem>>, vector<16xf32>,
    %get3A_98 = arith.constant 320 : index
    %get3A_99 = tpu.vector_load %arg6[%get3A_98] {strides = array<i32>} : memref<880xi32, #tpu.memory_space<vmem>>, vector<16xi32>,
    %gather3A_100 = tpu.vector_load_idx %arg5[%get3A_99] : memref<16xf32, #tpu.memory_space<vmem>>[vector<16xi32>], vector<16xf32>,
    %swap3A_101 = arith.constant 320 : index
    %swap3A_102 = tpu.vector_load %arg7[%swap3A_101] {strides = array<i32>} : memref<28160xf32, #tpu.memory_space<vmem>>, vector<16xf32>,
    tpu.vector_store %arg7[%swap3A_101], %gather3A_100 {strides = array<i32>} : memref<28160xf32, #tpu.memory_space<vmem>>, vector<16xf32>,
    %get3A_103 = arith.constant 336 : index
    %get3A_104 = tpu.vector_load %arg6[%get3A_103] {strides = array<i32>} : memref<880xi32, #tpu.memory_space<vmem>>, vector<16xi32>,
    %gather3A_105 = tpu.vector_load_idx %arg5[%get3A_104] : memref<16xf32, #tpu.memory_space<vmem>>[vector<16xi32>], vector<16xf32>,
    %swap3A_106 = arith.constant 336 : index
    %swap3A_107 = tpu.vector_load %arg7[%swap3A_106] {strides = array<i32>} : memref<28160xf32, #tpu.memory_space<vmem>>, vector<16xf32>,
    tpu.vector_store %arg7[%swap3A_106], %gather3A_105 {strides = array<i32>} : memref<28160xf32, #tpu.memory_space<vmem>>, vector<16xf32>,
    %get3A_108 = arith.constant 352 : index
    %get3A_109 = tpu.vector_load %arg6[%get3A_108] {strides = array<i32>} : memref<880xi32, #tpu.memory_space<vmem>>, vector<16xi32>,
    %gather3A_110 = tpu.vector_load_idx %arg5[%get3A_109] : memref<16xf32, #tpu.memory_space<vmem>>[vector<16xi32>], vector<16xf32>,
    %swap3A_111 = arith.constant 352 : index
    %swap3A_112 = tpu.vector_load %arg7[%swap3A_111] {strides = array<i32>} : memref<28160xf32, #tpu.memory_space<vmem>>, vector<16xf32>,
    tpu.vector_store %arg7[%swap3A_111], %gather3A_110 {strides = array<i32>} : memref<28160xf32, #tpu.memory_space<vmem>>, vector<16xf32>,
    %get3A_113 = arith.constant 368 : index
    %get3A_114 = tpu.vector_load %arg6[%get3A_113] {strides = array<i32>} : memref<880xi32, #tpu.memory_space<vmem>>, vector<16xi32>,
    %gather3A_115 = tpu.vector_load_idx %arg5[%get3A_114] : memref<16xf32, #tpu.memory_space<vmem>>[vector<16xi32>], vector<16xf32>,
    %swap3A_116 = arith.constant 368 : index
    %swap3A_117 = tpu.vector_load %arg7[%swap3A_116] {strides = array<i32>} : memref<28160xf32, #tpu.memory_space<vmem>>, vector<16xf32>,
    tpu.vector_store %arg7[%swap3A_116], %gather3A_115 {strides = array<i32>} : memref<28160xf32, #tpu.memory_space<vmem>>, vector<16xf32>,
    %get3A_118 = arith.constant 384 : index
    %get3A_119 = tpu.vector_load %arg6[%get3A_118] {strides = array<i32>} : memref<880xi32, #tpu.memory_space<vmem>>, vector<16xi32>,
    %gather3A_120 = tpu.vector_load_idx %arg5[%get3A_119] : memref<16xf32, #tpu.memory_space<vmem>>[vector<16xi32>], vector<16xf32>,
    %swap3A_121 = arith.constant 384 : index
    %swap3A_122 = tpu.vector_load %arg7[%swap3A_121] {strides = array<i32>} : memref<28160xf32, #tpu.memory_space<vmem>>, vector<16xf32>,
    tpu.vector_store %arg7[%swap3A_121], %gather3A_120 {strides = array<i32>} : memref<28160xf32, #tpu.memory_space<vmem>>, vector<16xf32>,
    %get3A_123 = arith.constant 400 : index
    %get3A_124 = tpu.vector_load %arg6[%get3A_123] {strides = array<i32>} : memref<880xi32, #tpu.memory_space<vmem>>, vector<16xi32>,
    %gather3A_125 = tpu.vector_load_idx %arg5[%get3A_124] : memref<16xf32, #tpu.memory_space<vmem>>[vector<16xi32>], vector<16xf32>,
    %swap3A_126 = arith.constant 400 : index
    %swap3A_127 = tpu.vector_load %arg7[%swap3A_126] {strides = array<i32>} : memref<28160xf32, #tpu.memory_space<vmem>>, vector<16xf32>,
    tpu.vector_store %arg7[%swap3A_126], %gather3A_125 {strides = array<i32>} : memref<28160xf32, #tpu.memory_space<vmem>>, vector<16xf32>,
    %get3A_128 = arith.constant 416 : index
    %get3A_129 = tpu.vector_load %arg6[%get3A_128] {strides = array<i32>} : memref<880xi32, #tpu.memory_space<vmem>>, vector<16xi32>,
    %gather3A_130 = tpu.vector_load_idx %arg5[%get3A_129] : memref<16xf32, #tpu.memory_space<vmem>>[vector<16xi32>], vector<16xf32>,
    %swap3A_131 = arith.constant 416 : index
    %swap3A_132 = tpu.vector_load %arg7[%swap3A_131] {strides = array<i32>} : memref<28160xf32, #tpu.memory_space<vmem>>, vector<16xf32>,
    tpu.vector_store %arg7[%swap3A_131], %gather3A_130 {strides = array<i32>} : memref<28160xf32, #tpu.memory_space<vmem>>, vector<16xf32>,
    %get3A_133 = arith.constant 432 : index
    %get3A_134 = tpu.vector_load %arg6[%get3A_133] {strides = array<i32>} : memref<880xi32, #tpu.memory_space<vmem>>, vector<16xi32>,
    %gather3A_135 = tpu.vector_load_idx %arg5[%get3A_134] : memref<16xf32, #tpu.memory_space<vmem>>[vector<16xi32>], vector<16xf32>,
    %swap3A_136 = arith.constant 432 : index
    %swap3A_137 = tpu.vector_load %arg7[%swap3A_136] {strides = array<i32>} : memref<28160xf32, #tpu.memory_space<vmem>>, vector<16xf32>,
    tpu.vector_store %arg7[%swap3A_136], %gather3A_135 {strides = array<i32>} : memref<28160xf32, #tpu.memory_space<vmem>>, vector<16xf32>,
    %get3A_138 = arith.constant 448 : index
    %get3A_139 = tpu.vector_load %arg6[%get3A_138] {strides = array<i32>} : memref<880xi32, #tpu.memory_space<vmem>>, vector<16xi32>,
    %gather3A_140 = tpu.vector_load_idx %arg5[%get3A_139] : memref<16xf32, #tpu.memory_space<vmem>>[vector<16xi32>], vector<16xf32>,
    %swap3A_141 = arith.constant 448 : index
    %swap3A_142 = tpu.vector_load %arg7[%swap3A_141] {strides = array<i32>} : memref<28160xf32, #tpu.memory_space<vmem>>, vector<16xf32>,
    tpu.vector_store %arg7[%swap3A_141], %gather3A_140 {strides = array<i32>} : memref<28160xf32, #tpu.memory_space<vmem>>, vector<16xf32>,
    %get3A_143 = arith.constant 464 : index
    %get3A_144 = tpu.vector_load %arg6[%get3A_143] {strides = array<i32>} : memref<880xi32, #tpu.memory_space<vmem>>, vector<16xi32>,
    %gather3A_145 = tpu.vector_load_idx %arg5[%get3A_144] : memref<16xf32, #tpu.memory_space<vmem>>[vector<16xi32>], vector<16xf32>,
    %swap3A_146 = arith.constant 464 : index
    %swap3A_147 = tpu.vector_load %arg7[%swap3A_146] {strides = array<i32>} : memref<28160xf32, #tpu.memory_space<vmem>>, vector<16xf32>,
    tpu.vector_store %arg7[%swap3A_146], %gather3A_145 {strides = array<i32>} : memref<28160xf32, #tpu.memory_space<vmem>>, vector<16xf32>,
    %get3A_148 = arith.constant 480 : index
    %get3A_149 = tpu.vector_load %arg6[%get3A_148] {strides = array<i32>} : memref<880xi32, #tpu.memory_space<vmem>>, vector<16xi32>,
    %gather3A_150 = tpu.vector_load_idx %arg5[%get3A_149] : memref<16xf32, #tpu.memory_space<vmem>>[vector<16xi32>], vector<16xf32>,
    %swap3A_151 = arith.constant 480 : index
    %swap3A_152 = tpu.vector_load %arg7[%swap3A_151] {strides = array<i32>} : memref<28160xf32, #tpu.memory_space<vmem>>, vector<16xf32>,
    tpu.vector_store %arg7[%swap3A_151], %gather3A_150 {strides = array<i32>} : memref<28160xf32, #tpu.memory_space<vmem>>, vector<16xf32>,
    %get3A_153 = arith.constant 496 : index
    %get3A_154 = tpu.vector_load %arg6[%get3A_153] {strides = array<i32>} : memref<880xi32, #tpu.memory_space<vmem>>, vector<16xi32>,
    %gather3A_155 = tpu.vector_load_idx %arg5[%get3A_154] : memref<16xf32, #tpu.memory_space<vmem>>[vector<16xi32>], vector<16xf32>,
    %swap3A_156 = arith.constant 496 : index
    %swap3A_157 = tpu.vector_load %arg7[%swap3A_156] {strides = array<i32>} : memref<28160xf32, #tpu.memory_space<vmem>>, vector<16xf32>,
    tpu.vector_store %arg7[%swap3A_156], %gather3A_155 {strides = array<i32>} : memref<28160xf32, #tpu.memory_space<vmem>>, vector<16xf32>,
    %get3A_158 = arith.constant 512 : index
    %get3A_159 = tpu.vector_load %arg6[%get3A_158] {strides = array<i32>} : memref<880xi32, #tpu.memory_space<vmem>>, vector<16xi32>,
    %gather3A_160 = tpu.vector_load_idx %arg5[%get3A_159] : memref<16xf32, #tpu.memory_space<vmem>>[vector<16xi32>], vector<16xf32>,
    %swap3A_161 = arith.constant 512 : index
    %swap3A_162 = tpu.vector_load %arg7[%swap3A_161] {strides = array<i32>} : memref<28160xf32, #tpu.memory_space<vmem>>, vector<16xf32>,
    tpu.vector_store %arg7[%swap3A_161], %gather3A_160 {strides = array<i32>} : memref<28160xf32, #tpu.memory_space<vmem>>, vector<16xf32>,
    %get3A_163 = arith.constant 528 : index
    %get3A_164 = tpu.vector_load %arg6[%get3A_163] {strides = array<i32>} : memref<880xi32, #tpu.memory_space<vmem>>, vector<16xi32>,
    %gather3A_165 = tpu.vector_load_idx %arg5[%get3A_164] : memref<16xf32, #tpu.memory_space<vmem>>[vector<16xi32>], vector<16xf32>,
    %swap3A_166 = arith.constant 528 : index
    %swap3A_167 = tpu.vector_load %arg7[%swap3A_166] {strides = array<i32>} : memref<28160xf32, #tpu.memory_space<vmem>>, vector<16xf32>,
    tpu.vector_store %arg7[%swap3A_166], %gather3A_165 {strides = array<i32>} : memref<28160xf32, #tpu.memory_space<vmem>>, vector<16xf32>,
    %get3A_168 = arith.constant 544 : index
    %get3A_169 = tpu.vector_load %arg6[%get3A_168] {strides = array<i32>} : memref<880xi32, #tpu.memory_space<vmem>>, vector<16xi32>,
    %gather3A_170 = tpu.vector_load_idx %arg5[%get3A_169] : memref<16xf32, #tpu.memory_space<vmem>>[vector<16xi32>], vector<16xf32>,
    %swap3A_171 = arith.constant 544 : index
    %swap3A_172 = tpu.vector_load %arg7[%swap3A_171] {strides = array<i32>} : memref<28160xf32, #tpu.memory_space<vmem>>, vector<16xf32>,
    tpu.vector_store %arg7[%swap3A_171], %gather3A_170 {strides = array<i32>} : memref<28160xf32, #tpu.memory_space<vmem>>, vector<16xf32>,
    %get3A_173 = arith.constant 560 : index
    %get3A_174 = tpu.vector_load %arg6[%get3A_173] {strides = array<i32>} : memref<880xi32, #tpu.memory_space<vmem>>, vector<16xi32>,
    %gather3A_175 = tpu.vector_load_idx %arg5[%get3A_174] : memref<16xf32, #tpu.memory_space<vmem>>[vector<16xi32>], vector<16xf32>,
    %swap3A_176 = arith.constant 560 : index
    %swap3A_177 = tpu.vector_load %arg7[%swap3A_176] {strides = array<i32>} : memref<28160xf32, #tpu.memory_space<vmem>>, vector<16xf32>,
    tpu.vector_store %arg7[%swap3A_176], %gather3A_175 {strides = array<i32>} : memref<28160xf32, #tpu.memory_space<vmem>>, vector<16xf32>,
    %get3A_178 = arith.constant 576 : index
    %get3A_179 = tpu.vector_load %arg6[%get3A_178] {strides = array<i32>} : memref<880xi32, #tpu.memory_space<vmem>>, vector<16xi32>,
    %gather3A_180 = tpu.vector_load_idx %arg5[%get3A_179] : memref<16xf32, #tpu.memory_space<vmem>>[vector<16xi32>], vector<16xf32>,
    %swap3A_181 = arith.constant 576 : index
    %swap3A_182 = tpu.vector_load %arg7[%swap3A_181] {strides = array<i32>} : memref<28160xf32, #tpu.memory_space<vmem>>, vector<16xf32>,
    tpu.vector_store %arg7[%swap3A_181], %gather3A_180 {strides = array<i32>} : memref<28160xf32, #tpu.memory_space<vmem>>, vector<16xf32>,
    %get3A_183 = arith.constant 592 : index
    %get3A_184 = tpu.vector_load %arg6[%get3A_183] {strides = array<i32>} : memref<880xi32, #tpu.memory_space<vmem>>, vector<16xi32>,
    %gather3A_185 = tpu.vector_load_idx %arg5[%get3A_184] : memref<16xf32, #tpu.memory_space<vmem>>[vector<16xi32>], vector<16xf32>,
    %swap3A_186 = arith.constant 592 : index
    %swap3A_187 = tpu.vector_load %arg7[%swap3A_186] {strides = array<i32>} : memref<28160xf32, #tpu.memory_space<vmem>>, vector<16xf32>,
    tpu.vector_store %arg7[%swap3A_186], %gather3A_185 {strides = array<i32>} : memref<28160xf32, #tpu.memory_space<vmem>>, vector<16xf32>,
    %get3A_188 = arith.constant 608 : index
    %get3A_189 = tpu.vector_load %arg6[%get3A_188] {strides = array<i32>} : memref<880xi32, #tpu.memory_space<vmem>>, vector<16xi32>,
    %gather3A_190 = tpu.vector_load_idx %arg5[%get3A_189] : memref<16xf32, #tpu.memory_space<vmem>>[vector<16xi32>], vector<16xf32>,
    %swap3A_191 = arith.constant 608 : index
    %swap3A_192 = tpu.vector_load %arg7[%swap3A_191] {strides = array<i32>} : memref<28160xf32, #tpu.memory_space<vmem>>, vector<16xf32>,
    tpu.vector_store %arg7[%swap3A_191], %gather3A_190 {strides = array<i32>} : memref<28160xf32, #tpu.memory_space<vmem>>, vector<16xf32>,
    %get3A_193 = arith.constant 624 : index
    %get3A_194 = tpu.vector_load %arg6[%get3A_193] {strides = array<i32>} : memref<880xi32, #tpu.memory_space<vmem>>, vector<16xi32>,
    %gather3A_195 = tpu.vector_load_idx %arg5[%get3A_194] : memref<16xf32, #tpu.memory_space<vmem>>[vector<16xi32>], vector<16xf32>,
    %swap3A_196 = arith.constant 624 : index
    %swap3A_197 = tpu.vector_load %arg7[%swap3A_196] {strides = array<i32>} : memref<28160xf32, #tpu.memory_space<vmem>>, vector<16xf32>,
    tpu.vector_store %arg7[%swap3A_196], %gather3A_195 {strides = array<i32>} : memref<28160xf32, #tpu.memory_space<vmem>>, vector<16xf32>,
    %get3A_198 = arith.constant 640 : index
    %get3A_199 = tpu.vector_load %arg6[%get3A_198] {strides = array<i32>} : memref<880xi32, #tpu.memory_space<vmem>>, vector<16xi32>,
    %gather3A_200 = tpu.vector_load_idx %arg5[%get3A_199] : memref<16xf32, #tpu.memory_space<vmem>>[vector<16xi32>], vector<16xf32>,
    %swap3A_201 = arith.constant 640 : index
    %swap3A_202 = tpu.vector_load %arg7[%swap3A_201] {strides = array<i32>} : memref<28160xf32, #tpu.memory_space<vmem>>, vector<16xf32>,
    tpu.vector_store %arg7[%swap3A_201], %gather3A_200 {strides = array<i32>} : memref<28160xf32, #tpu.memory_space<vmem>>, vector<16xf32>,
    %get3A_203 = arith.constant 656 : index
    %get3A_204 = tpu.vector_load %arg6[%get3A_203] {strides = array<i32>} : memref<880xi32, #tpu.memory_space<vmem>>, vector<16xi32>,
    %gather3A_205 = tpu.vector_load_idx %arg5[%get3A_204] : memref<16xf32, #tpu.memory_space<vmem>>[vector<16xi32>], vector<16xf32>,
    %swap3A_206 = arith.constant 656 : index
    %swap3A_207 = tpu.vector_load %arg7[%swap3A_206] {strides = array<i32>} : memref<28160xf32, #tpu.memory_space<vmem>>, vector<16xf32>,
    tpu.vector_store %arg7[%swap3A_206], %gather3A_205 {strides = array<i32>} : memref<28160xf32, #tpu.memory_space<vmem>>, vector<16xf32>,
    %get3A_208 = arith.constant 672 : index
    %get3A_209 = tpu.vector_load %arg6[%get3A_208] {strides = array<i32>} : memref<880xi32, #tpu.memory_space<vmem>>, vector<16xi32>,
    %gather3A_210 = tpu.vector_load_idx %arg5[%get3A_209] : memref<16xf32, #tpu.memory_space<vmem>>[vector<16xi32>], vector<16xf32>,
    %swap3A_211 = arith.constant 672 : index
    %swap3A_212 = tpu.vector_load %arg7[%swap3A_211] {strides = array<i32>} : memref<28160xf32, #tpu.memory_space<vmem>>, vector<16xf32>,
    tpu.vector_store %arg7[%swap3A_211], %gather3A_210 {strides = array<i32>} : memref<28160xf32, #tpu.memory_space<vmem>>, vector<16xf32>,
    %get3A_213 = arith.constant 688 : index
    %get3A_214 = tpu.vector_load %arg6[%get3A_213] {strides = array<i32>} : memref<880xi32, #tpu.memory_space<vmem>>, vector<16xi32>,
    %gather3A_215 = tpu.vector_load_idx %arg5[%get3A_214] : memref<16xf32, #tpu.memory_space<vmem>>[vector<16xi32>], vector<16xf32>,
    %swap3A_216 = arith.constant 688 : index
    %swap3A_217 = tpu.vector_load %arg7[%swap3A_216] {strides = array<i32>} : memref<28160xf32, #tpu.memory_space<vmem>>, vector<16xf32>,
    tpu.vector_store %arg7[%swap3A_216], %gather3A_215 {strides = array<i32>} : memref<28160xf32, #tpu.memory_space<vmem>>, vector<16xf32>,
    %get3A_218 = arith.constant 704 : index
    %get3A_219 = tpu.vector_load %arg6[%get3A_218] {strides = array<i32>} : memref<880xi32, #tpu.memory_space<vmem>>, vector<16xi32>,
    %gather3A_220 = tpu.vector_load_idx %arg5[%get3A_219] : memref<16xf32, #tpu.memory_space<vmem>>[vector<16xi32>], vector<16xf32>,
    %swap3A_221 = arith.constant 704 : index
    %swap3A_222 = tpu.vector_load %arg7[%swap3A_221] {strides = array<i32>} : memref<28160xf32, #tpu.memory_space<vmem>>, vector<16xf32>,
    tpu.vector_store %arg7[%swap3A_221], %gather3A_220 {strides = array<i32>} : memref<28160xf32, #tpu.memory_space<vmem>>, vector<16xf32>,
    %get3A_223 = arith.constant 720 : index
    %get3A_224 = tpu.vector_load %arg6[%get3A_223] {strides = array<i32>} : memref<880xi32, #tpu.memory_space<vmem>>, vector<16xi32>,
    %gather3A_225 = tpu.vector_load_idx %arg5[%get3A_224] : memref<16xf32, #tpu.memory_space<vmem>>[vector<16xi32>], vector<16xf32>,
    %swap3A_226 = arith.constant 720 : index
    %swap3A_227 = tpu.vector_load %arg7[%swap3A_226] {strides = array<i32>} : memref<28160xf32, #tpu.memory_space<vmem>>, vector<16xf32>,
    tpu.vector_store %arg7[%swap3A_226], %gather3A_225 {strides = array<i32>} : memref<28160xf32, #tpu.memory_space<vmem>>, vector<16xf32>,
    %get3A_228 = arith.constant 736 : index
    %get3A_229 = tpu.vector_load %arg6[%get3A_228] {strides = array<i32>} : memref<880xi32, #tpu.memory_space<vmem>>, vector<16xi32>,
    %gather3A_230 = tpu.vector_load_idx %arg5[%get3A_229] : memref<16xf32, #tpu.memory_space<vmem>>[vector<16xi32>], vector<16xf32>,
    %swap3A_231 = arith.constant 736 : index
    %swap3A_232 = tpu.vector_load %arg7[%swap3A_231] {strides = array<i32>} : memref<28160xf32, #tpu.memory_space<vmem>>, vector<16xf32>,
    tpu.vector_store %arg7[%swap3A_231], %gather3A_230 {strides = array<i32>} : memref<28160xf32, #tpu.memory_space<vmem>>, vector<16xf32>,
    %get3A_233 = arith.constant 752 : index
    %get3A_234 = tpu.vector_load %arg6[%get3A_233] {strides = array<i32>} : memref<880xi32, #tpu.memory_space<vmem>>, vector<16xi32>,
    %gather3A_235 = tpu.vector_load_idx %arg5[%get3A_234] : memref<16xf32, #tpu.memory_space<vmem>>[vector<16xi32>], vector<16xf32>,
    %swap3A_236 = arith.constant 752 : index
    %swap3A_237 = tpu.vector_load %arg7[%swap3A_236] {strides = array<i32>} : memref<28160xf32, #tpu.memory_space<vmem>>, vector<16xf32>,
    tpu.vector_store %arg7[%swap3A_236], %gather3A_235 {strides = array<i32>} : memref<28160xf32, #tpu.memory_space<vmem>>, vector<16xf32>,
    %get3A_238 = arith.constant 768 : index
    %get3A_239 = tpu.vector_load %arg6[%get3A_238] {strides = array<i32>} : memref<880xi32, #tpu.memory_space<vmem>>, vector<16xi32>,
    %gather3A_240 = tpu.vector_load_idx %arg5[%get3A_239] : memref<16xf32, #tpu.memory_space<vmem>>[vector<16xi32>], vector<16xf32>,
    %swap3A_241 = arith.constant 768 : index
    %swap3A_242 = tpu.vector_load %arg7[%swap3A_241] {strides = array<i32>} : memref<28160xf32, #tpu.memory_space<vmem>>, vector<16xf32>,
    tpu.vector_store %arg7[%swap3A_241], %gather3A_240 {strides = array<i32>} : memref<28160xf32, #tpu.memory_space<vmem>>, vector<16xf32>,
    %get3A_243 = arith.constant 784 : index
    %get3A_244 = tpu.vector_load %arg6[%get3A_243] {strides = array<i32>} : memref<880xi32, #tpu.memory_space<vmem>>, vector<16xi32>,
    %gather3A_245 = tpu.vector_load_idx %arg5[%get3A_244] : memref<16xf32, #tpu.memory_space<vmem>>[vector<16xi32>], vector<16xf32>,
    %swap3A_246 = arith.constant 784 : index
    %swap3A_247 = tpu.vector_load %arg7[%swap3A_246] {strides = array<i32>} : memref<28160xf32, #tpu.memory_space<vmem>>, vector<16xf32>,
    tpu.vector_store %arg7[%swap3A_246], %gather3A_245 {strides = array<i32>} : memref<28160xf32, #tpu.memory_space<vmem>>, vector<16xf32>,
    %get3A_248 = arith.constant 800 : index
    %get3A_249 = tpu.vector_load %arg6[%get3A_248] {strides = array<i32>} : memref<880xi32, #tpu.memory_space<vmem>>, vector<16xi32>,
    %gather3A_250 = tpu.vector_load_idx %arg5[%get3A_249] : memref<16xf32, #tpu.memory_space<vmem>>[vector<16xi32>], vector<16xf32>,
    %swap3A_251 = arith.constant 800 : index
    %swap3A_252 = tpu.vector_load %arg7[%swap3A_251] {strides = array<i32>} : memref<28160xf32, #tpu.memory_space<vmem>>, vector<16xf32>,
    tpu.vector_store %arg7[%swap3A_251], %gather3A_250 {strides = array<i32>} : memref<28160xf32, #tpu.memory_space<vmem>>, vector<16xf32>,
    %get3A_253 = arith.constant 816 : index
    %get3A_254 = tpu.vector_load %arg6[%get3A_253] {strides = array<i32>} : memref<880xi32, #tpu.memory_space<vmem>>, vector<16xi32>,
    %gather3A_255 = tpu.vector_load_idx %arg5[%get3A_254] : memref<16xf32, #tpu.memory_space<vmem>>[vector<16xi32>], vector<16xf32>,
    %swap3A_256 = arith.constant 816 : index
    %swap3A_257 = tpu.vector_load %arg7[%swap3A_256] {strides = array<i32>} : memref<28160xf32, #tpu.memory_space<vmem>>, vector<16xf32>,
    tpu.vector_store %arg7[%swap3A_256], %gather3A_255 {strides = array<i32>} : memref<28160xf32, #tpu.memory_space<vmem>>, vector<16xf32>,
    %get3A_258 = arith.constant 832 : index
    %get3A_259 = tpu.vector_load %arg6[%get3A_258] {strides = array<i32>} : memref<880xi32, #tpu.memory_space<vmem>>, vector<16xi32>,
    %gather3A_260 = tpu.vector_load_idx %arg5[%get3A_259] : memref<16xf32, #tpu.memory_space<vmem>>[vector<16xi32>], vector<16xf32>,
    %swap3A_261 = arith.constant 832 : index
    %swap3A_262 = tpu.vector_load %arg7[%swap3A_261] {strides = array<i32>} : memref<28160xf32, #tpu.memory_space<vmem>>, vector<16xf32>,
    tpu.vector_store %arg7[%swap3A_261], %gather3A_260 {strides = array<i32>} : memref<28160xf32, #tpu.memory_space<vmem>>, vector<16xf32>,
    %get3A_263 = arith.constant 848 : index
    %get3A_264 = tpu.vector_load %arg6[%get3A_263] {strides = array<i32>} : memref<880xi32, #tpu.memory_space<vmem>>, vector<16xi32>,
    %gather3A_265 = tpu.vector_load_idx %arg5[%get3A_264] : memref<16xf32, #tpu.memory_space<vmem>>[vector<16xi32>], vector<16xf32>,
    %swap3A_266 = arith.constant 848 : index
    %swap3A_267 = tpu.vector_load %arg7[%swap3A_266] {strides = array<i32>} : memref<28160xf32, #tpu.memory_space<vmem>>, vector<16xf32>,
    tpu.vector_store %arg7[%swap3A_266], %gather3A_265 {strides = array<i32>} : memref<28160xf32, #tpu.memory_space<vmem>>, vector<16xf32>,
    %get3A_268 = arith.constant 864 : index
    %get3A_269 = tpu.vector_load %arg6[%get3A_268] {strides = array<i32>} : memref<880xi32, #tpu.memory_space<vmem>>, vector<16xi32>,
    %gather3A_270 = tpu.vector_load_idx %arg5[%get3A_269] : memref<16xf32, #tpu.memory_space<vmem>>[vector<16xi32>], vector<16xf32>,
    %swap3A_271 = arith.constant 864 : index
    %swap3A_272 = tpu.vector_load %arg7[%swap3A_271] {strides = array<i32>} : memref<28160xf32, #tpu.memory_space<vmem>>, vector<16xf32>,
    tpu.vector_store %arg7[%swap3A_271], %gather3A_270 {strides = array<i32>} : memref<28160xf32, #tpu.memory_space<vmem>>, vector<16xf32>,
    %get3A_273 = arith.constant 0 : index
    %get3A_274 = tpu.vector_load %arg7[%get3A_273] {strides = array<i32>} : memref<28160xf32, #tpu.memory_space<vmem>>, vector<16xf32>,
    %swap3A_275 = arith.constant 880 : index
    %swap3A_276 = tpu.vector_load %arg7[%swap3A_275] {strides = array<i32>} : memref<28160xf32, #tpu.memory_space<vmem>>, vector<16xf32>,
    tpu.vector_store %arg7[%swap3A_275], %get3A_274 {strides = array<i32>} : memref<28160xf32, #tpu.memory_space<vmem>>, vector<16xf32>,
    %get3A_277 = arith.constant 16 : index
    %get3A_278 = tpu.vector_load %arg7[%get3A_277] {strides = array<i32>} : memref<28160xf32, #tpu.memory_space<vmem>>, vector<16xf32>,
    %swap3A_279 = arith.constant 896 : index
    %swap3A_280 = tpu.vector_load %arg7[%swap3A_279] {strides = array<i32>} : memref<28160xf32, #tpu.memory_space<vmem>>, vector<16xf32>,
    tpu.vector_store %arg7[%swap3A_279], %get3A_278 {strides = array<i32>} : memref<28160xf32, #tpu.memory_space<vmem>>, vector<16xf32>,
    %get3A_281 = arith.constant 32 : index
    %get3A_282 = tpu.vector_load %arg7[%get3A_281] {strides = array<i32>} : memref<28160xf32, #tpu.memory_space<vmem>>, vector<16xf32>,
    %swap3A_283 = arith.constant 912 : index
    %swap3A_284 = tpu.vector_load %arg7[%swap3A_283] {strides = array<i32>} : memref<28160xf32, #tpu.memory_space<vmem>>, vector<16xf32>,
    tpu.vector_store %arg7[%swap3A_283], %get3A_282 {strides = array<i32>} : memref<28160xf32, #tpu.memory_space<vmem>>, vector<16xf32>,
    %get3A_285 = arith.constant 48 : index
    %get3A_286 = tpu.vector_load %arg7[%get3A_285] {strides = array<i32>} : memref<28160xf32, #tpu.memory_space<vmem>>, vector<16xf32>,
    %swap3A_287 = arith.constant 928 : index
    %swap3A_288 = tpu.vector_load %arg7[%swap3A_287] {strides = array<i32>} : memref<28160xf32, #tpu.memory_space<vmem>>, vector<16xf32>,
    tpu.vector_store %arg7[%swap3A_287], %get3A_286 {strides = array<i32>} : memref<28160xf32, #tpu.memory_space<vmem>>, vector<16xf32>,
    %get3A_289 = arith.constant 64 : index
    %get3A_290 = tpu.vector_load %arg7[%get3A_289] {strides = array<i32>} : memref<28160xf32, #tpu.memory_space<vmem>>, vector<16xf32>,
    %swap3A_291 = arith.constant 944 : index
    %swap3A_292 = tpu.vector_load %arg7[%swap3A_291] {strides = array<i32>} : memref<28160xf32, #tpu.memory_space<vmem>>, vector<16xf32>,
    tpu.vector_store %arg7[%swap3A_291], %get3A_290 {strides = array<i32>} : memref<28160xf32, #tpu.memory_space<vmem>>, vector<16xf32>,
    %get3A_293 = arith.constant 80 : index
    %get3A_294 = tpu.vector_load %arg7[%get3A_293] {strides = array<i32>} : memref<28160xf32, #tpu.memory_space<vmem>>, vector<16xf32>,
    %swap3A_295 = arith.constant 960 : index
    %swap3A_296 = tpu.vector_load %arg7[%swap3A_295] {strides = array<i32>} : memref<28160xf32, #tpu.memory_space<vmem>>, vector<16xf32>,
    tpu.vector_store %arg7[%swap3A_295], %get3A_294 {strides = array<i32>} : memref<28160xf32, #tpu.memory_space<vmem>>, vector<16xf32>,
    %get3A_297 = arith.constant 96 : index
    %get3A_298 = tpu.vector_load %arg7[%get3A_297] {strides = array<i32>} : memref<28160xf32, #tpu.memory_space<vmem>>, vector<16xf32>,
    %swap3A_299 = arith.constant 976 : index
    %swap3A_300 = tpu.vector_load %arg7[%swap3A_299] {strides = array<i32>} : memref<28160xf32, #tpu.memory_space<vmem>>, vector<16xf32>,
    tpu.vector_store %arg7[%swap3A_299], %get3A_298 {strides = array<i32>} : memref<28160xf32, #tpu.memory_space<vmem>>, vector<16xf32>,
    %get3A_301 = arith.constant 112 : index
    %get3A_302 = tpu.vector_load %arg7[%get3A_301] {strides = array<i32>} : memref<28160xf32, #tpu.memory_space<vmem>>, vector<16xf32>,
    %swap3A_303 = arith.constant 992 : index
    %swap3A_304 = tpu.vector_load %arg7[%swap3A_303] {strides = array<i32>} : memref<28160xf32, #tpu.memory_space<vmem>>, vector<16xf32>,
    tpu.vector_store %arg7[%swap3A_303], %get3A_302 {strides = array<i32>} : memref<28160xf32, #tpu.memory_space<vmem>>, vector<16xf32>,
    %get3A_305 = arith.constant 128 : index
    %get3A_306 = tpu.vector_load %arg7[%get3A_305] {strides = array<i32>} : memref<28160xf32, #tpu.memory_space<vmem>>, vector<16xf32>,
    %swap3A_307 = arith.constant 1008 : index
    %swap3A_308 = tpu.vector_load %arg7[%swap3A_307] {strides = array<i32>} : memref<28160xf32, #tpu.memory_space<vmem>>, vector<16xf32>,
    tpu.vector_store %arg7[%swap3A_307], %get3A_306 {strides = array<i32>} : memref<28160xf32, #tpu.memory_space<vmem>>, vector<16xf32>,
    %get3A_309 = arith.constant 144 : index
    %get3A_310 = tpu.vector_load %arg7[%get3A_309] {strides = array<i32>} : memref<28160xf32, #tpu.memory_space<vmem>>, vector<16xf32>,
    %swap3A_311 = arith.constant 1024 : index
    %swap3A_312 = tpu.vector_load %arg7[%swap3A_311] {strides = array<i32>} : memref<28160xf32, #tpu.memory_space<vmem>>, vector<16xf32>,
    tpu.vector_store %arg7[%swap3A_311], %get3A_310 {strides = array<i32>} : memref<28160xf32, #tpu.memory_space<vmem>>, vector<16xf32>,
    %get3A_313 = arith.constant 160 : index
    %get3A_314 = tpu.vector_load %arg7[%get3A_313] {strides = array<i32>} : memref<28160xf32, #tpu.memory_space<vmem>>, vector<16xf32>,
    %swap3A_315 = arith.constant 1040 : index
    %swap3A_316 = tpu.vector_load %arg7[%swap3A_315] {strides = array<i32>} : memref<28160xf32, #tpu.memory_space<vmem>>, vector<16xf32>,
    tpu.vector_store %arg7[%swap3A_315], %get3A_314 {strides = array<i32>} : memref<28160xf32, #tpu.memory_space<vmem>>, vector<16xf32>,
    %get3A_317 = arith.constant 176 : index
    %get3A_318 = tpu.vector_load %arg7[%get3A_317] {strides = array<i32>} : memref<28160xf32, #tpu.memory_space<vmem>>, vector<16xf32>,
    %swap3A_319 = arith.constant 1056 : index
    %swap3A_320 = tpu.vector_load %arg7[%swap3A_319] {strides = array<i32>} : memref<28160xf32, #tpu.memory_space<vmem>>, vector<16xf32>,
    tpu.vector_store %arg7[%swap3A_319], %get3A_318 {strides = array<i32>} : memref<28160xf32, #tpu.memory_space<vmem>>, vector<16xf32>,
    %get3A_321 = arith.constant 192 : index
    %get3A_322 = tpu.vector_load %arg7[%get3A_321] {strides = array<i32>} : memref<28160xf32, #tpu.memory_space<vmem>>, vector<16xf32>,
    %swap3A_323 = arith.constant 1072 : index
    %swap3A_324 = tpu.vector_load %arg7[%swap3A_323] {strides = array<i32>} : memref<28160xf32, #tpu.memory_space<vmem>>, vector<16xf32>,
    tpu.vector_store %arg7[%swap3A_323], %get3A_322 {strides = array<i32>} : memref<28160xf32, #tpu.memory_space<vmem>>, vector<16xf32>,
    %get3A_325 = arith.constant 208 : index
    %get3A_326 = tpu.vector_load %arg7[%get3A_325] {strides = array<i32>} : memref<28160xf32, #tpu.memory_space<vmem>>, vector<16xf32>,
    %swap3A_327 = arith.constant 1088 : index
    %swap3A_328 = tpu.vector_load %arg7[%swap3A_327] {strides = array<i32>} : memref<28160xf32, #tpu.memory_space<vmem>>, vector<16xf32>,
    tpu.vector_store %arg7[%swap3A_327], %get3A_326 {strides = array<i32>} : memref<28160xf32, #tpu.memory_space<vmem>>, vector<16xf32>,
    %get3A_329 = arith.constant 224 : index
    %get3A_330 = tpu.vector_load %arg7[%get3A_329] {strides = array<i32>} : memref<28160xf32, #tpu.memory_space<vmem>>, vector<16xf32>,
    %swap3A_331 = arith.constant 1104 : index
    %swap3A_332 = tpu.vector_load %arg7[%swap3A_331] {strides = array<i32>} : memref<28160xf32, #tpu.memory_space<vmem>>, vector<16xf32>,
    tpu.vector_store %arg7[%swap3A_331], %get3A_330 {strides = array<i32>} : memref<28160xf32, #tpu.memory_space<vmem>>, vector<16xf32>,
    %get3A_333 = arith.constant 240 : index
    %get3A_334 = tpu.vector_load %arg7[%get3A_333] {strides = array<i32>} : memref<28160xf32, #tpu.memory_space<vmem>>, vector<16xf32>,
    %swap3A_335 = arith.constant 1120 : index
    %swap3A_336 = tpu.vector_load %arg7[%swap3A_335] {strides = array<i32>} : memref<28160xf32, #tpu.memory_space<vmem>>, vector<16xf32>,
    tpu.vector_store %arg7[%swap3A_335], %get3A_334 {strides = array<i32>} : memref<28160xf32, #tpu.memory_space<vmem>>, vector<16xf32>,
    %get3A_337 = arith.constant 256 : index
    %get3A_338 = tpu.vector_load %arg7[%get3A_337] {strides = array<i32>} : memref<28160xf32, #tpu.memory_space<vmem>>, vector<16xf32>,
    %swap3A_339 = arith.constant 1136 : index
    %swap3A_340 = tpu.vector_load %arg7[%swap3A_339] {strides = array<i32>} : memref<28160xf32, #tpu.memory_space<vmem>>, vector<16xf32>,
    tpu.vector_store %arg7[%swap3A_339], %get3A_338 {strides = array<i32>} : memref<28160xf32, #tpu.memory_space<vmem>>, vector<16xf32>,
    %get3A_341 = arith.constant 272 : index
    %get3A_342 = tpu.vector_load %arg7[%get3A_341] {strides = array<i32>} : memref<28160xf32, #tpu.memory_space<vmem>>, vector<16xf32>,
    %swap3A_343 = arith.constant 1152 : index
    %swap3A_344 = tpu.vector_load %arg7[%swap3A_343] {strides = array<i32>} : memref<28160xf32, #tpu.memory_space<vmem>>, vector<16xf32>,
    tpu.vector_store %arg7[%swap3A_343], %get3A_342 {strides = array<i32>} : memref<28160xf32, #tpu.memory_space<vmem>>, vector<16xf32>,
    %get3A_345 = arith.constant 288 : index
    %get3A_346 = tpu.vector_load %arg7[%get3A_345] {strides = array<i32>} : memref<28160xf32, #tpu.memory_space<vmem>>, vector<16xf32>,
    %swap3A_347 = arith.constant 1168 : index
    %swap3A_348 = tpu.vector_load %arg7[%swap3A_347] {strides = array<i32>} : memref<28160xf32, #tpu.memory_space<vmem>>, vector<16xf32>,
    tpu.vector_store %arg7[%swap3A_347], %get3A_346 {strides = array<i32>} : memref<28160xf32, #tpu.memory_space<vmem>>, vector<16xf32>,
    %get3A_349 = arith.constant 304 : index
    %get3A_350 = tpu.vector_load %arg7[%get3A_349] {strides = array<i32>} : memref<28160xf32, #tpu.memory_space<vmem>>, vector<16xf32>,
    %swap3A_351 = arith.constant 1184 : index
    %swap3A_352 = tpu.vector_load %arg7[%swap3A_351] {strides = array<i32>} : memref<28160xf32, #tpu.memory_space<vmem>>, vector<16xf32>,
    tpu.vector_store %arg7[%swap3A_351], %get3A_350 {strides = array<i32>} : memref<28160xf32, #tpu.memory_space<vmem>>, vector<16xf32>,
    %get3A_353 = arith.constant 320 : index
    %get3A_354 = tpu.vector_load %arg7[%get3A_353] {strides = array<i32>} : memref<28160xf32, #tpu.memory_space<vmem>>, vector<16xf32>,
    %swap3A_355 = arith.constant 1200 : index
    %swap3A_356 = tpu.vector_load %arg7[%swap3A_355] {strides = array<i32>} : memref<28160xf32, #tpu.memory_space<vmem>>, vector<16xf32>,
    tpu.vector_store %arg7[%swap3A_355], %get3A_354 {strides = array<i32>} : memref<28160xf32, #tpu.memory_space<vmem>>, vector<16xf32>,
    %get3A_357 = arith.constant 336 : index
    %get3A_358 = tpu.vector_load %arg7[%get3A_357] {strides = array<i32>} : memref<28160xf32, #tpu.memory_space<vmem>>, vector<16xf32>,
    %swap3A_359 = arith.constant 1216 : index
    %swap3A_360 = tpu.vector_load %arg7[%swap3A_359] {strides = array<i32>} : memref<28160xf32, #tpu.memory_space<vmem>>, vector<16xf32>,
    tpu.vector_store %arg7[%swap3A_359], %get3A_358 {strides = array<i32>} : memref<28160xf32, #tpu.memory_space<vmem>>, vector<16xf32>,
    %get3A_361 = arith.constant 352 : index
    %get3A_362 = tpu.vector_load %arg7[%get3A_361] {strides = array<i32>} : memref<28160xf32, #tpu.memory_space<vmem>>, vector<16xf32>,
    %swap3A_363 = arith.constant 1232 : index
    %swap3A_364 = tpu.vector_load %arg7[%swap3A_363] {strides = array<i32>} : memref<28160xf32, #tpu.memory_space<vmem>>, vector<16xf32>,
    tpu.vector_store %arg7[%swap3A_363], %get3A_362 {strides = array<i32>} : memref<28160xf32, #tpu.memory_space<vmem>>, vector<16xf32>,
    %get3A_365 = arith.constant 368 : index
    %get3A_366 = tpu.vector_load %arg7[%get3A_365] {strides = array<i32>} : memref<28160xf32, #tpu.memory_space<vmem>>, vector<16xf32>,
    %swap3A_367 = arith.constant 1248 : index
    %swap3A_368 = tpu.vector_load %arg7[%swap3A_367] {strides = array<i32>} : memref<28160xf32, #tpu.memory_space<vmem>>, vector<16xf32>,
    tpu.vector_store %arg7[%swap3A_367], %get3A_366 {strides = array<i32>} : memref<28160xf32, #tpu.memory_space<vmem>>, vector<16xf32>,
    %get3A_369 = arith.constant 384 : index
    %get3A_370 = tpu.vector_load %arg7[%get3A_369] {strides = array<i32>} : memref<28160xf32, #tpu.memory_space<vmem>>, vector<16xf32>,
    %swap3A_371 = arith.constant 1264 : index
    %swap3A_372 = tpu.vector_load %arg7[%swap3A_371] {strides = array<i32>} : memref<28160xf32, #tpu.memory_space<vmem>>, vector<16xf32>,
    tpu.vector_store %arg7[%swap3A_371], %get3A_370 {strides = array<i32>} : memref<28160xf32, #tpu.memory_space<vmem>>, vector<16xf32>,
    %get3A_373 = arith.constant 400 : index
    %get3A_374 = tpu.vector_load %arg7[%get3A_373] {strides = array<i32>} : memref<28160xf32, #tpu.memory_space<vmem>>, vector<16xf32>,
    %swap3A_375 = arith.constant 1280 : index
    %swap3A_376 = tpu.vector_load %arg7[%swap3A_375] {strides = array<i32>} : memref<28160xf32, #tpu.memory_space<vmem>>, vector<16xf32>,
    tpu.vector_store %arg7[%swap3A_375], %get3A_374 {strides = array<i32>} : memref<28160xf32, #tpu.memory_space<vmem>>, vector<16xf32>,
    %get3A_377 = arith.constant 416 : index
    %get3A_378 = tpu.vector_load %arg7[%get3A_377] {strides = array<i32>} : memref<28160xf32, #tpu.memory_space<vmem>>, vector<16xf32>,
    %swap3A_379 = arith.constant 1296 : index
    %swap3A_380 = tpu.vector_load %arg7[%swap3A_379] {strides = array<i32>} : memref<28160xf32, #tpu.memory_space<vmem>>, vector<16xf32>,
    tpu.vector_store %arg7[%swap3A_379], %get3A_378 {strides = array<i32>} : memref<28160xf32, #tpu.memory_space<vmem>>, vector<16xf32>,
    %get3A_381 = arith.constant 432 : index
    %get3A_382 = tpu.vector_load %arg7[%get3A_381] {strides = array<i32>} : memref<28160xf32, #tpu.memory_space<vmem>>, vector<16xf32>,
    %swap3A_383 = arith.constant 1312 : index
    %swap3A_384 = tpu.vector_load %arg7[%swap3A_383] {strides = array<i32>} : memref<28160xf32, #tpu.memory_space<vmem>>, vector<16xf32>,
    tpu.vector_store %arg7[%swap3A_383], %get3A_382 {strides = array<i32>} : memref<28160xf32, #tpu.memory_space<vmem>>, vector<16xf32>,
    %get3A_385 = arith.constant 448 : index
    %get3A_386 = tpu.vector_load %arg7[%get3A_385] {strides = array<i32>} : memref<28160xf32, #tpu.memory_space<vmem>>, vector<16xf32>,
    %swap3A_387 = arith.constant 1328 : index
    %swap3A_388 = tpu.vector_load %arg7[%swap3A_387] {strides = array<i32>} : memref<28160xf32, #tpu.memory_space<vmem>>, vector<16xf32>,
    tpu.vector_store %arg7[%swap3A_387], %get3A_386 {strides = array<i32>} : memref<28160xf32, #tpu.memory_space<vmem>>, vector<16xf32>,
    %get3A_389 = arith.constant 464 : index
    %get3A_390 = tpu.vector_load %arg7[%get3A_389] {strides = array<i32>} : memref<28160xf32, #tpu.memory_space<vmem>>, vector<16xf32>,
    %swap3A_391 = arith.constant 1344 : index
    %swap3A_392 = tpu.vector_load %arg7[%swap3A_391] {strides = array<i32>} : memref<28160xf32, #tpu.memory_space<vmem>>, vector<16xf32>,
    tpu.vector_store %arg7[%swap3A_391], %get3A_390 {strides = array<i32>} : memref<28160xf32, #tpu.memory_space<vmem>>, vector<16xf32>,
    %get3A_393 = arith.constant 480 : index
    %get3A_394 = tpu.vector_load %arg7[%get3A_393] {strides = array<i32>} : memref<28160xf32, #tpu.memory_space<vmem>>, vector<16xf32>,
    %swap3A_395 = arith.constant 1360 : index
    %swap3A_396 = tpu.vector_load %arg7[%swap3A_395] {strides = array<i32>} : memref<28160xf32, #tpu.memory_space<vmem>>, vector<16xf32>,
    tpu.vector_store %arg7[%swap3A_395], %get3A_394 {strides = array<i32>} : memref<28160xf32, #tpu.memory_space<vmem>>, vector<16xf32>,
    %get3A_397 = arith.constant 496 : index
    %get3A_398 = tpu.vector_load %arg7[%get3A_397] {strides = array<i32>} : memref<28160xf32, #tpu.memory_space<vmem>>, vector<16xf32>,
    %swap3A_399 = arith.constant 1376 : index
    %swap3A_400 = tpu.vector_load %arg7[%swap3A_399] {strides = array<i32>} : memref<28160xf32, #tpu.memory_space<vmem>>, vector<16xf32>,
    tpu.vector_store %arg7[%swap3A_399], %get3A_398 {strides = array<i32>} : memref<28160xf32, #tpu.memory_space<vmem>>, vector<16xf32>,
    %get3A_401 = arith.constant 512 : index
    %get3A_402 = tpu.vector_load %arg7[%get3A_401] {strides = array<i32>} : memref<28160xf32, #tpu.memory_space<vmem>>, vector<16xf32>,
    %swap3A_403 = arith.constant 1392 : index
    %swap3A_404 = tpu.vector_load %arg7[%swap3A_403] {strides = array<i32>} : memref<28160xf32, #tpu.memory_space<vmem>>, vector<16xf32>,
    tpu.vector_store %arg7[%swap3A_403], %get3A_402 {strides = array<i32>} : memref<28160xf32, #tpu.memory_space<vmem>>, vector<16xf32>,
    %get3A_405 = arith.constant 528 : index
    %get3A_406 = tpu.vector_load %arg7[%get3A_405] {strides = array<i32>} : memref<28160xf32, #tpu.memory_space<vmem>>, vector<16xf32>,
    %swap3A_407 = arith.constant 1408 : index
    %swap3A_408 = tpu.vector_load %arg7[%swap3A_407] {strides = array<i32>} : memref<28160xf32, #tpu.memory_space<vmem>>, vector<16xf32>,
    tpu.vector_store %arg7[%swap3A_407], %get3A_406 {strides = array<i32>} : memref<28160xf32, #tpu.memory_space<vmem>>, vector<16xf32>,
    %get3A_409 = arith.constant 544 : index
    %get3A_410 = tpu.vector_load %arg7[%get3A_409] {strides = array<i32>} : memref<28160xf32, #tpu.memory_space<vmem>>, vector<16xf32>,
    %swap3A_411 = arith.constant 1424 : index
    %swap3A_412 = tpu.vector_load %arg7[%swap3A_411] {strides = array<i32>} : memref<28160xf32, #tpu.memory_space<vmem>>, vector<16xf32>,
    tpu.vector_store %arg7[%swap3A_411], %get3A_410 {strides = array<i32>} : memref<28160xf32, #tpu.memory_space<vmem>>, vector<16xf32>,
    %get3A_413 = arith.constant 560 : index
    %get3A_414 = tpu.vector_load %arg7[%get3A_413] {strides = array<i32>} : memref<28160xf32, #tpu.memory_space<vmem>>, vector<16xf32>,
    %swap3A_415 = arith.constant 1440 : index
    %swap3A_416 = tpu.vector_load %arg7[%swap3A_415] {strides = array<i32>} : memref<28160xf32, #tpu.memory_space<vmem>>, vector<16xf32>,
    tpu.vector_store %arg7[%swap3A_415], %get3A_414 {strides = array<i32>} : memref<28160xf32, #tpu.memory_space<vmem>>, vector<16xf32>,
    %get3A_417 = arith.constant 576 : index
    %get3A_418 = tpu.vector_load %arg7[%get3A_417] {strides = array<i32>} : memref<28160xf32, #tpu.memory_space<vmem>>, vector<16xf32>,
    %swap3A_419 = arith.constant 1456 : index
    %swap3A_420 = tpu.vector_load %arg7[%swap3A_419] {strides = array<i32>} : memref<28160xf32, #tpu.memory_space<vmem>>, vector<16xf32>,
    tpu.vector_store %arg7[%swap3A_419], %get3A_418 {strides = array<i32>} : memref<28160xf32, #tpu.memory_space<vmem>>, vector<16xf32>,
    %get3A_421 = arith.constant 592 : index
    %get3A_422 = tpu.vector_load %arg7[%get3A_421] {strides = array<i32>} : memref<28160xf32, #tpu.memory_space<vmem>>, vector<16xf32>,
    %swap3A_423 = arith.constant 1472 : index
    %swap3A_424 = tpu.vector_load %arg7[%swap3A_423] {strides = array<i32>} : memref<28160xf32, #tpu.memory_space<vmem>>, vector<16xf32>,
    tpu.vector_store %arg7[%swap3A_423], %get3A_422 {strides = array<i32>} : memref<28160xf32, #tpu.memory_space<vmem>>, vector<16xf32>,
    %get3A_425 = arith.constant 608 : index
    %get3A_426 = tpu.vector_load %arg7[%get3A_425] {strides = array<i32>} : memref<28160xf32, #tpu.memory_space<vmem>>, vector<16xf32>,
    %swap3A_427 = arith.constant 1488 : index
    %swap3A_428 = tpu.vector_load %arg7[%swap3A_427] {strides = array<i32>} : memref<28160xf32, #tpu.memory_space<vmem>>, vector<16xf32>,
    tpu.vector_store %arg7[%swap3A_427], %get3A_426 {strides = array<i32>} : memref<28160xf32, #tpu.memory_space<vmem>>, vector<16xf32>,
    %get3A_429 = arith.constant 624 : index
    %get3A_430 = tpu.vector_load %arg7[%get3A_429] {strides = array<i32>} : memref<28160xf32, #tpu.memory_space<vmem>>, vector<16xf32>,
    %swap3A_431 = arith.constant 1504 : index
    %swap3A_432 = tpu.vector_load %arg7[%swap3A_431] {strides = array<i32>} : memref<28160xf32, #tpu.memory_space<vmem>>, vector<16xf32>,
    tpu.vector_store %arg7[%swap3A_431], %get3A_430 {strides = array<i32>} : memref<28160xf32, #tpu.memory_space<vmem>>, vector<16xf32>,
    %get3A_433 = arith.constant 640 : index
    %get3A_434 = tpu.vector_load %arg7[%get3A_433] {strides = array<i32>} : memref<28160xf32, #tpu.memory_space<vmem>>, vector<16xf32>,
    %swap3A_435 = arith.constant 1520 : index
    %swap3A_436 = tpu.vector_load %arg7[%swap3A_435] {strides = array<i32>} : memref<28160xf32, #tpu.memory_space<vmem>>, vector<16xf32>,
    tpu.vector_store %arg7[%swap3A_435], %get3A_434 {strides = array<i32>} : memref<28160xf32, #tpu.memory_space<vmem>>, vector<16xf32>,
    %get3A_437 = arith.constant 656 : index
    %get3A_438 = tpu.vector_load %arg7[%get3A_437] {strides = array<i32>} : memref<28160xf32, #tpu.memory_space<vmem>>, vector<16xf32>,
    %swap3A_439 = arith.constant 1536 : index
    %swap3A_440 = tpu.vector_load %arg7[%swap3A_439] {strides = array<i32>} : memref<28160xf32, #tpu.memory_space<vmem>>, vector<16xf32>,
    tpu.vector_store %arg7[%swap3A_439], %get3A_438 {strides = array<i32>} : memref<28160xf32, #tpu.memory_space<vmem>>, vector<16xf32>,
    %get3A_441 = arith.constant 672 : index
    %get3A_442 = tpu.vector_load %arg7[%get3A_441] {strides = array<i32>} : memref<28160xf32, #tpu.memory_space<vmem>>, vector<16xf32>,
    %swap3A_443 = arith.constant 1552 : index
    %swap3A_444 = tpu.vector_load %arg7[%swap3A_443] {strides = array<i32>} : memref<28160xf32, #tpu.memory_space<vmem>>, vector<16xf32>,
    tpu.vector_store %arg7[%swap3A_443], %get3A_442 {strides = array<i32>} : memref<28160xf32, #tpu.memory_space<vmem>>, vector<16xf32>,
    %get3A_445 = arith.constant 688 : index
    %get3A_446 = tpu.vector_load %arg7[%get3A_445] {strides = array<i32>} : memref<28160xf32, #tpu.memory_space<vmem>>, vector<16xf32>,
    %swap3A_447 = arith.constant 1568 : index
    %swap3A_448 = tpu.vector_load %arg7[%swap3A_447] {strides = array<i32>} : memref<28160xf32, #tpu.memory_space<vmem>>, vector<16xf32>,
    tpu.vector_store %arg7[%swap3A_447], %get3A_446 {strides = array<i32>} : memref<28160xf32, #tpu.memory_space<vmem>>, vector<16xf32>,
    %get3A_449 = arith.constant 704 : index
    %get3A_450 = tpu.vector_load %arg7[%get3A_449] {strides = array<i32>} : memref<28160xf32, #tpu.memory_space<vmem>>, vector<16xf32>,
    %swap3A_451 = arith.constant 1584 : index
    %swap3A_452 = tpu.vector_load %arg7[%swap3A_451] {strides = array<i32>} : memref<28160xf32, #tpu.memory_space<vmem>>, vector<16xf32>,
    tpu.vector_store %arg7[%swap3A_451], %get3A_450 {strides = array<i32>} : memref<28160xf32, #tpu.memory_space<vmem>>, vector<16xf32>,
    %get3A_453 = arith.constant 720 : index
    %get3A_454 = tpu.vector_load %arg7[%get3A_453] {strides = array<i32>} : memref<28160xf32, #tpu.memory_space<vmem>>, vector<16xf32>,
    %swap3A_455 = arith.constant 1600 : index
    %swap3A_456 = tpu.vector_load %arg7[%swap3A_455] {strides = array<i32>} : memref<28160xf32, #tpu.memory_space<vmem>>, vector<16xf32>,
    tpu.vector_store %arg7[%swap3A_455], %get3A_454 {strides = array<i32>} : memref<28160xf32, #tpu.memory_space<vmem>>, vector<16xf32>,
    %get3A_457 = arith.constant 736 : index
    %get3A_458 = tpu.vector_load %arg7[%get3A_457] {strides = array<i32>} : memref<28160xf32, #tpu.memory_space<vmem>>, vector<16xf32>,
    %swap3A_459 = arith.constant 1616 : index
    %swap3A_460 = tpu.vector_load %arg7[%swap3A_459] {strides = array<i32>} : memref<28160xf32, #tpu.memory_space<vmem>>, vector<16xf32>,
    tpu.vector_store %arg7[%swap3A_459], %get3A_458 {strides = array<i32>} : memref<28160xf32, #tpu.memory_space<vmem>>, vector<16xf32>,
    %get3A_461 = arith.constant 752 : index
    %get3A_462 = tpu.vector_load %arg7[%get3A_461] {strides = array<i32>} : memref<28160xf32, #tpu.memory_space<vmem>>, vector<16xf32>,
    %swap3A_463 = arith.constant 1632 : index
    %swap3A_464 = tpu.vector_load %arg7[%swap3A_463] {strides = array<i32>} : memref<28160xf32, #tpu.memory_space<vmem>>, vector<16xf32>,
    tpu.vector_store %arg7[%swap3A_463], %get3A_462 {strides = array<i32>} : memref<28160xf32, #tpu.memory_space<vmem>>, vector<16xf32>,
    %get3A_465 = arith.constant 768 : index
    %get3A_466 = tpu.vector_load %arg7[%get3A_465] {strides = array<i32>} : memref<28160xf32, #tpu.memory_space<vmem>>, vector<16xf32>,
    %swap3A_467 = arith.constant 1648 : index
    %swap3A_468 = tpu.vector_load %arg7[%swap3A_467] {strides = array<i32>} : memref<28160xf32, #tpu.memory_space<vmem>>, vector<16xf32>,
    tpu.vector_store %arg7[%swap3A_467], %get3A_466 {strides = array<i32>} : memref<28160xf32, #tpu.memory_space<vmem>>, vector<16xf32>,
    %get3A_469 = arith.constant 784 : index
    %get3A_470 = tpu.vector_load %arg7[%get3A_469] {strides = array<i32>} : memref<28160xf32, #tpu.memory_space<vmem>>, vector<16xf32>,
    %swap3A_471 = arith.constant 1664 : index
    %swap3A_472 = tpu.vector_load %arg7[%swap3A_471] {strides = array<i32>} : memref<28160xf32, #tpu.memory_space<vmem>>, vector<16xf32>,
    tpu.vector_store %arg7[%swap3A_471], %get3A_470 {strides = array<i32>} : memref<28160xf32, #tpu.memory_space<vmem>>, vector<16xf32>,
    %get3A_473 = arith.constant 800 : index
    %get3A_474 = tpu.vector_load %arg7[%get3A_473] {strides = array<i32>} : memref<28160xf32, #tpu.memory_space<vmem>>, vector<16xf32>,
    %swap3A_475 = arith.constant 1680 : index
    %swap3A_476 = tpu.vector_load %arg7[%swap3A_475] {strides = array<i32>} : memref<28160xf32, #tpu.memory_space<vmem>>, vector<16xf32>,
    tpu.vector_store %arg7[%swap3A_475], %get3A_474 {strides = array<i32>} : memref<28160xf32, #tpu.memory_space<vmem>>, vector<16xf32>,
    %get3A_477 = arith.constant 816 : index
    %get3A_478 = tpu.vector_load %arg7[%get3A_477] {strides = array<i32>} : memref<28160xf32, #tpu.memory_space<vmem>>, vector<16xf32>,
    %swap3A_479 = arith.constant 1696 : index
    %swap3A_480 = tpu.vector_load %arg7[%swap3A_479] {strides = array<i32>} : memref<28160xf32, #tpu.memory_space<vmem>>, vector<16xf32>,
    tpu.vector_store %arg7[%swap3A_479], %get3A_478 {strides = array<i32>} : memref<28160xf32, #tpu.memory_space<vmem>>, vector<16xf32>,
    %get3A_481 = arith.constant 832 : index
    %get3A_482 = tpu.vector_load %arg7[%get3A_481] {strides = array<i32>} : memref<28160xf32, #tpu.memory_space<vmem>>, vector<16xf32>,
    %swap3A_483 = arith.constant 1712 : index
    %swap3A_484 = tpu.vector_load %arg7[%swap3A_483] {strides = array<i32>} : memref<28160xf32, #tpu.memory_space<vmem>>, vector<16xf32>,
    tpu.vector_store %arg7[%swap3A_483], %get3A_482 {strides = array<i32>} : memref<28160xf32, #tpu.memory_space<vmem>>, vector<16xf32>,
    %get3A_485 = arith.constant 848 : index
    %get3A_486 = tpu.vector_load %arg7[%get3A_485] {strides = array<i32>} : memref<28160xf32, #tpu.memory_space<vmem>>, vector<16xf32>,
    %swap3A_487 = arith.constant 1728 : index
    %swap3A_488 = tpu.vector_load %arg7[%swap3A_487] {strides = array<i32>} : memref<28160xf32, #tpu.memory_space<vmem>>, vector<16xf32>,
    tpu.vector_store %arg7[%swap3A_487], %get3A_486 {strides = array<i32>} : memref<28160xf32, #tpu.memory_space<vmem>>, vector<16xf32>,
    %get3A_489 = arith.constant 864 : index
    %get3A_490 = tpu.vector_load %arg7[%get3A_489] {strides = array<i32>} : memref<28160xf32, #tpu.memory_space<vmem>>, vector<16xf32>,
    %swap3A_491 = arith.constant 1744 : index
    %swap3A_492 = tpu.vector_load %arg7[%swap3A_491] {strides = array<i32>} : memref<28160xf32, #tpu.memory_space<vmem>>, vector<16xf32>,
    tpu.vector_store %arg7[%swap3A_491], %get3A_490 {strides = array<i32>} : memref<28160xf32, #tpu.memory_space<vmem>>, vector<16xf32>,
    %scan3A = arith.constant 0 : i32
    %scan3A_493 = arith.constant 0 : i32
    %scan3A_494 = arith.constant 55 : i32
    %scan3A_495 = arith.addi %scan3A_493, %scan3A_494 : i32
    %scan3A_496 = arith.constant 1 : i32
    scf.for %scan3A_594 = %scan3A_493 to %scan3A_495 step %scan3A_496  : i32 {
      %mul3A_595 = arith.constant 2 : i32
      %mul3A_596 = arith.muli %scan3A_594, %mul3A_595 : i32
      %add3A_597 = arith.constant 0 : i32
      %add3A_598 = arith.addi %mul3A_596, %add3A_597 : i32
      %mul3A_599 = arith.constant 16 : i32
      %mul3A_600 = arith.muli %add3A_598, %mul3A_599 : i32
      %get3A_601 = arith.index_cast %mul3A_600 : i32 to index
      %get3A_602 = tpu.vector_load %arg7[%get3A_601] {strides = array<i32>} : memref<28160xf32, #tpu.memory_space<vmem>>, vector<16xf32>,
      %add3A_603 = arith.constant 1760 : i32
      %add3A_604 = arith.addi %add3A_603, %mul3A_600 : i32
      %swap3A_605 = arith.index_cast %add3A_604 : i32 to index
      %swap3A_606 = tpu.vector_load %arg7[%swap3A_605] {strides = array<i32>} : memref<28160xf32, #tpu.memory_space<vmem>>, vector<16xf32>,
      tpu.vector_store %arg7[%swap3A_605], %get3A_602 {strides = array<i32>} : memref<28160xf32, #tpu.memory_space<vmem>>, vector<16xf32>,
      %mul3A_607 = arith.constant 2 : i32
      %mul3A_608 = arith.muli %scan3A_594, %mul3A_607 : i32
      %add3A_609 = arith.constant 1 : i32
      %add3A_610 = arith.addi %mul3A_608, %add3A_609 : i32
      %mul3A_611 = arith.constant 16 : i32
      %mul3A_612 = arith.muli %add3A_610, %mul3A_611 : i32
      %get3A_613 = arith.index_cast %mul3A_612 : i32 to index
      %get3A_614 = tpu.vector_load %arg7[%get3A_613] {strides = array<i32>} : memref<28160xf32, #tpu.memory_space<vmem>>, vector<16xf32>,
      %add3A_615 = arith.constant 1760 : i32
      %add3A_616 = arith.addi %add3A_615, %mul3A_612 : i32
      %swap3A_617 = arith.index_cast %add3A_616 : i32 to index
      %swap3A_618 = tpu.vector_load %arg7[%swap3A_617] {strides = array<i32>} : memref<28160xf32, #tpu.memory_space<vmem>>, vector<16xf32>,
      tpu.vector_store %arg7[%swap3A_617], %get3A_614 {strides = array<i32>} : memref<28160xf32, #tpu.memory_space<vmem>>, vector<16xf32>,
    }
    %scan3A_497 = arith.constant 55 : i32
    %scan3A_498 = arith.constant 0 : i32
    %scan3A_499 = arith.constant 0 : i32
    %scan3A_500 = arith.constant 55 : i32
    %scan3A_501 = arith.addi %scan3A_499, %scan3A_500 : i32
    %scan3A_502 = arith.constant 1 : i32
    scf.for %scan3A_594 = %scan3A_499 to %scan3A_501 step %scan3A_502  : i32 {
      %mul3A_595 = arith.constant 4 : i32
      %mul3A_596 = arith.muli %scan3A_594, %mul3A_595 : i32
      %add3A_597 = arith.constant 0 : i32
      %add3A_598 = arith.addi %mul3A_596, %add3A_597 : i32
      %mul3A_599 = arith.constant 16 : i32
      %mul3A_600 = arith.muli %add3A_598, %mul3A_599 : i32
      %get3A_601 = arith.index_cast %mul3A_600 : i32 to index
      %get3A_602 = tpu.vector_load %arg7[%get3A_601] {strides = array<i32>} : memref<28160xf32, #tpu.memory_space<vmem>>, vector<16xf32>,
      %add3A_603 = arith.constant 3520 : i32
      %add3A_604 = arith.addi %add3A_603, %mul3A_600 : i32
      %swap3A_605 = arith.index_cast %add3A_604 : i32 to index
      %swap3A_606 = tpu.vector_load %arg7[%swap3A_605] {strides = array<i32>} : memref<28160xf32, #tpu.memory_space<vmem>>, vector<16xf32>,
      tpu.vector_store %arg7[%swap3A_605], %get3A_602 {strides = array<i32>} : memref<28160xf32, #tpu.memory_space<vmem>>, vector<16xf32>,
      %mul3A_607 = arith.constant 4 : i32
      %mul3A_608 = arith.muli %scan3A_594, %mul3A_607 : i32
      %add3A_609 = arith.constant 1 : i32
      %add3A_610 = arith.addi %mul3A_608, %add3A_609 : i32
      %mul3A_611 = arith.constant 16 : i32
      %mul3A_612 = arith.muli %add3A_610, %mul3A_611 : i32
      %get3A_613 = arith.index_cast %mul3A_612 : i32 to index
      %get3A_614 = tpu.vector_load %arg7[%get3A_613] {strides = array<i32>} : memref<28160xf32, #tpu.memory_space<vmem>>, vector<16xf32>,
      %add3A_615 = arith.constant 3520 : i32
      %add3A_616 = arith.addi %add3A_615, %mul3A_612 : i32
      %swap3A_617 = arith.index_cast %add3A_616 : i32 to index
      %swap3A_618 = tpu.vector_load %arg7[%swap3A_617] {strides = array<i32>} : memref<28160xf32, #tpu.memory_space<vmem>>, vector<16xf32>,
      tpu.vector_store %arg7[%swap3A_617], %get3A_614 {strides = array<i32>} : memref<28160xf32, #tpu.memory_space<vmem>>, vector<16xf32>,
      %mul3A_619 = arith.constant 4 : i32
      %mul3A_620 = arith.muli %scan3A_594, %mul3A_619 : i32
      %add3A_621 = arith.constant 2 : i32
      %add3A_622 = arith.addi %mul3A_620, %add3A_621 : i32
      %mul3A_623 = arith.constant 16 : i32
      %mul3A_624 = arith.muli %add3A_622, %mul3A_623 : i32
      %get3A_625 = arith.index_cast %mul3A_624 : i32 to index
      %get3A_626 = tpu.vector_load %arg7[%get3A_625] {strides = array<i32>} : memref<28160xf32, #tpu.memory_space<vmem>>, vector<16xf32>,
      %add3A_627 = arith.constant 3520 : i32
      %add3A_628 = arith.addi %add3A_627, %mul3A_624 : i32
      %swap3A_629 = arith.index_cast %add3A_628 : i32 to index
      %swap3A_630 = tpu.vector_load %arg7[%swap3A_629] {strides = array<i32>} : memref<28160xf32, #tpu.memory_space<vmem>>, vector<16xf32>,
      tpu.vector_store %arg7[%swap3A_629], %get3A_626 {strides = array<i32>} : memref<28160xf32, #tpu.memory_space<vmem>>, vector<16xf32>,
      %mul3A_631 = arith.constant 4 : i32
      %mul3A_632 = arith.muli %scan3A_594, %mul3A_631 : i32
      %add3A_633 = arith.constant 3 : i32
      %add3A_634 = arith.addi %mul3A_632, %add3A_633 : i32
      %mul3A_635 = arith.constant 16 : i32
      %mul3A_636 = arith.muli %add3A_634, %mul3A_635 : i32
      %get3A_637 = arith.index_cast %mul3A_636 : i32 to index
      %get3A_638 = tpu.vector_load %arg7[%get3A_637] {strides = array<i32>} : memref<28160xf32, #tpu.memory_space<vmem>>, vector<16xf32>,
      %add3A_639 = arith.constant 3520 : i32
      %add3A_640 = arith.addi %add3A_639, %mul3A_636 : i32
      %swap3A_641 = arith.index_cast %add3A_640 : i32 to index
      %swap3A_642 = tpu.vector_load %arg7[%swap3A_641] {strides = array<i32>} : memref<28160xf32, #tpu.memory_space<vmem>>, vector<16xf32>,
      tpu.vector_store %arg7[%swap3A_641], %get3A_638 {strides = array<i32>} : memref<28160xf32, #tpu.memory_space<vmem>>, vector<16xf32>,
    }
    %scan3A_503 = arith.constant 55 : i32
    %scan3A_504 = arith.constant 0 : i32
    %scan3A_505 = arith.constant 0 : i32
    %scan3A_506 = arith.constant 55 : i32
    %scan3A_507 = arith.addi %scan3A_505, %scan3A_506 : i32
    %scan3A_508 = arith.constant 1 : i32
    scf.for %scan3A_594 = %scan3A_505 to %scan3A_507 step %scan3A_508  : i32 {
      %mul3A_595 = arith.constant 8 : i32
      %mul3A_596 = arith.muli %scan3A_594, %mul3A_595 : i32
      %add3A_597 = arith.constant 0 : i32
      %add3A_598 = arith.addi %mul3A_596, %add3A_597 : i32
      %mul3A_599 = arith.constant 16 : i32
      %mul3A_600 = arith.muli %add3A_598, %mul3A_599 : i32
      %get3A_601 = arith.index_cast %mul3A_600 : i32 to index
      %get3A_602 = tpu.vector_load %arg7[%get3A_601] {strides = array<i32>} : memref<28160xf32, #tpu.memory_space<vmem>>, vector<16xf32>,
      %add3A_603 = arith.constant 7040 : i32
      %add3A_604 = arith.addi %add3A_603, %mul3A_600 : i32
      %swap3A_605 = arith.index_cast %add3A_604 : i32 to index
      %swap3A_606 = tpu.vector_load %arg7[%swap3A_605] {strides = array<i32>} : memref<28160xf32, #tpu.memory_space<vmem>>, vector<16xf32>,
      tpu.vector_store %arg7[%swap3A_605], %get3A_602 {strides = array<i32>} : memref<28160xf32, #tpu.memory_space<vmem>>, vector<16xf32>,
      %mul3A_607 = arith.constant 8 : i32
      %mul3A_608 = arith.muli %scan3A_594, %mul3A_607 : i32
      %add3A_609 = arith.constant 1 : i32
      %add3A_610 = arith.addi %mul3A_608, %add3A_609 : i32
      %mul3A_611 = arith.constant 16 : i32
      %mul3A_612 = arith.muli %add3A_610, %mul3A_611 : i32
      %get3A_613 = arith.index_cast %mul3A_612 : i32 to index
      %get3A_614 = tpu.vector_load %arg7[%get3A_613] {strides = array<i32>} : memref<28160xf32, #tpu.memory_space<vmem>>, vector<16xf32>,
      %add3A_615 = arith.constant 7040 : i32
      %add3A_616 = arith.addi %add3A_615, %mul3A_612 : i32
      %swap3A_617 = arith.index_cast %add3A_616 : i32 to index
      %swap3A_618 = tpu.vector_load %arg7[%swap3A_617] {strides = array<i32>} : memref<28160xf32, #tpu.memory_space<vmem>>, vector<16xf32>,
      tpu.vector_store %arg7[%swap3A_617], %get3A_614 {strides = array<i32>} : memref<28160xf32, #tpu.memory_space<vmem>>, vector<16xf32>,
      %mul3A_619 = arith.constant 8 : i32
      %mul3A_620 = arith.muli %scan3A_594, %mul3A_619 : i32
      %add3A_621 = arith.constant 2 : i32
      %add3A_622 = arith.addi %mul3A_620, %add3A_621 : i32
      %mul3A_623 = arith.constant 16 : i32
      %mul3A_624 = arith.muli %add3A_622, %mul3A_623 : i32
      %get3A_625 = arith.index_cast %mul3A_624 : i32 to index
      %get3A_626 = tpu.vector_load %arg7[%get3A_625] {strides = array<i32>} : memref<28160xf32, #tpu.memory_space<vmem>>, vector<16xf32>,
      %add3A_627 = arith.constant 7040 : i32
      %add3A_628 = arith.addi %add3A_627, %mul3A_624 : i32
      %swap3A_629 = arith.index_cast %add3A_628 : i32 to index
      %swap3A_630 = tpu.vector_load %arg7[%swap3A_629] {strides = array<i32>} : memref<28160xf32, #tpu.memory_space<vmem>>, vector<16xf32>,
      tpu.vector_store %arg7[%swap3A_629], %get3A_626 {strides = array<i32>} : memref<28160xf32, #tpu.memory_space<vmem>>, vector<16xf32>,
      %mul3A_631 = arith.constant 8 : i32
      %mul3A_632 = arith.muli %scan3A_594, %mul3A_631 : i32
      %add3A_633 = arith.constant 3 : i32
      %add3A_634 = arith.addi %mul3A_632, %add3A_633 : i32
      %mul3A_635 = arith.constant 16 : i32
      %mul3A_636 = arith.muli %add3A_634, %mul3A_635 : i32
      %get3A_637 = arith.index_cast %mul3A_636 : i32 to index
      %get3A_638 = tpu.vector_load %arg7[%get3A_637] {strides = array<i32>} : memref<28160xf32, #tpu.memory_space<vmem>>, vector<16xf32>,
      %add3A_639 = arith.constant 7040 : i32
      %add3A_640 = arith.addi %add3A_639, %mul3A_636 : i32
      %swap3A_641 = arith.index_cast %add3A_640 : i32 to index
      %swap3A_642 = tpu.vector_load %arg7[%swap3A_641] {strides = array<i32>} : memref<28160xf32, #tpu.memory_space<vmem>>, vector<16xf32>,
      tpu.vector_store %arg7[%swap3A_641], %get3A_638 {strides = array<i32>} : memref<28160xf32, #tpu.memory_space<vmem>>, vector<16xf32>,
      %mul3A_643 = arith.constant 8 : i32
      %mul3A_644 = arith.muli %scan3A_594, %mul3A_643 : i32
      %add3A_645 = arith.constant 4 : i32
      %add3A_646 = arith.addi %mul3A_644, %add3A_645 : i32
      %mul3A_647 = arith.constant 16 : i32
      %mul3A_648 = arith.muli %add3A_646, %mul3A_647 : i32
      %get3A_649 = arith.index_cast %mul3A_648 : i32 to index
      %get3A_650 = tpu.vector_load %arg7[%get3A_649] {strides = array<i32>} : memref<28160xf32, #tpu.memory_space<vmem>>, vector<16xf32>,
      %add3A_651 = arith.constant 7040 : i32
      %add3A_652 = arith.addi %add3A_651, %mul3A_648 : i32
      %swap3A_653 = arith.index_cast %add3A_652 : i32 to index
      %swap3A_654 = tpu.vector_load %arg7[%swap3A_653] {strides = array<i32>} : memref<28160xf32, #tpu.memory_space<vmem>>, vector<16xf32>,
      tpu.vector_store %arg7[%swap3A_653], %get3A_650 {strides = array<i32>} : memref<28160xf32, #tpu.memory_space<vmem>>, vector<16xf32>,
      %mul3A_655 = arith.constant 8 : i32
      %mul3A_656 = arith.muli %scan3A_594, %mul3A_655 : i32
      %add3A_657 = arith.constant 5 : i32
      %add3A_658 = arith.addi %mul3A_656, %add3A_657 : i32
      %mul3A_659 = arith.constant 16 : i32
      %mul3A_660 = arith.muli %add3A_658, %mul3A_659 : i32
      %get3A_661 = arith.index_cast %mul3A_660 : i32 to index
      %get3A_662 = tpu.vector_load %arg7[%get3A_661] {strides = array<i32>} : memref<28160xf32, #tpu.memory_space<vmem>>, vector<16xf32>,
      %add3A_663 = arith.constant 7040 : i32
      %add3A_664 = arith.addi %add3A_663, %mul3A_660 : i32
      %swap3A_665 = arith.index_cast %add3A_664 : i32 to index
      %swap3A_666 = tpu.vector_load %arg7[%swap3A_665] {strides = array<i32>} : memref<28160xf32, #tpu.memory_space<vmem>>, vector<16xf32>,
      tpu.vector_store %arg7[%swap3A_665], %get3A_662 {strides = array<i32>} : memref<28160xf32, #tpu.memory_space<vmem>>, vector<16xf32>,
      %mul3A_667 = arith.constant 8 : i32
      %mul3A_668 = arith.muli %scan3A_594, %mul3A_667 : i32
      %add3A_669 = arith.constant 6 : i32
      %add3A_670 = arith.addi %mul3A_668, %add3A_669 : i32
      %mul3A_671 = arith.constant 16 : i32
      %mul3A_672 = arith.muli %add3A_670, %mul3A_671 : i32
      %get3A_673 = arith.index_cast %mul3A_672 : i32 to index
      %get3A_674 = tpu.vector_load %arg7[%get3A_673] {strides = array<i32>} : memref<28160xf32, #tpu.memory_space<vmem>>, vector<16xf32>,
      %add3A_675 = arith.constant 7040 : i32
      %add3A_676 = arith.addi %add3A_675, %mul3A_672 : i32
      %swap3A_677 = arith.index_cast %add3A_676 : i32 to index
      %swap3A_678 = tpu.vector_load %arg7[%swap3A_677] {strides = array<i32>} : memref<28160xf32, #tpu.memory_space<vmem>>, vector<16xf32>,
      tpu.vector_store %arg7[%swap3A_677], %get3A_674 {strides = array<i32>} : memref<28160xf32, #tpu.memory_space<vmem>>, vector<16xf32>,
      %mul3A_679 = arith.constant 8 : i32
      %mul3A_680 = arith.muli %scan3A_594, %mul3A_679 : i32
      %add3A_681 = arith.constant 7 : i32
      %add3A_682 = arith.addi %mul3A_680, %add3A_681 : i32
      %mul3A_683 = arith.constant 16 : i32
      %mul3A_684 = arith.muli %add3A_682, %mul3A_683 : i32
      %get3A_685 = arith.index_cast %mul3A_684 : i32 to index
      %get3A_686 = tpu.vector_load %arg7[%get3A_685] {strides = array<i32>} : memref<28160xf32, #tpu.memory_space<vmem>>, vector<16xf32>,
      %add3A_687 = arith.constant 7040 : i32
      %add3A_688 = arith.addi %add3A_687, %mul3A_684 : i32
      %swap3A_689 = arith.index_cast %add3A_688 : i32 to index
      %swap3A_690 = tpu.vector_load %arg7[%swap3A_689] {strides = array<i32>} : memref<28160xf32, #tpu.memory_space<vmem>>, vector<16xf32>,
      tpu.vector_store %arg7[%swap3A_689], %get3A_686 {strides = array<i32>} : memref<28160xf32, #tpu.memory_space<vmem>>, vector<16xf32>,
    }
    %scan3A_509 = arith.constant 55 : i32
    %scan3A_510 = arith.constant 0 : i32
    %scan3A_511 = arith.constant 0 : i32
    %scan3A_512 = arith.constant 110 : i32
    %scan3A_513 = arith.addi %scan3A_511, %scan3A_512 : i32
    %scan3A_514 = arith.constant 1 : i32
    scf.for %scan3A_594 = %scan3A_511 to %scan3A_513 step %scan3A_514  : i32 {
      %mul3A_595 = arith.constant 8 : i32
      %mul3A_596 = arith.muli %scan3A_594, %mul3A_595 : i32
      %add3A_597 = arith.constant 0 : i32
      %add3A_598 = arith.addi %mul3A_596, %add3A_597 : i32
      %mul3A_599 = arith.constant 16 : i32
      %mul3A_600 = arith.muli %add3A_598, %mul3A_599 : i32
      %get3A_601 = arith.index_cast %mul3A_600 : i32 to index
      %get3A_602 = tpu.vector_load %arg7[%get3A_601] {strides = array<i32>} : memref<28160xf32, #tpu.memory_space<vmem>>, vector<16xf32>,
      %add3A_603 = arith.constant 14080 : i32
      %add3A_604 = arith.addi %add3A_603, %mul3A_600 : i32
      %swap3A_605 = arith.index_cast %add3A_604 : i32 to index
      %swap3A_606 = tpu.vector_load %arg7[%swap3A_605] {strides = array<i32>} : memref<28160xf32, #tpu.memory_space<vmem>>, vector<16xf32>,
      tpu.vector_store %arg7[%swap3A_605], %get3A_602 {strides = array<i32>} : memref<28160xf32, #tpu.memory_space<vmem>>, vector<16xf32>,
      %mul3A_607 = arith.constant 8 : i32
      %mul3A_608 = arith.muli %scan3A_594, %mul3A_607 : i32
      %add3A_609 = arith.constant 1 : i32
      %add3A_610 = arith.addi %mul3A_608, %add3A_609 : i32
      %mul3A_611 = arith.constant 16 : i32
      %mul3A_612 = arith.muli %add3A_610, %mul3A_611 : i32
      %get3A_613 = arith.index_cast %mul3A_612 : i32 to index
      %get3A_614 = tpu.vector_load %arg7[%get3A_613] {strides = array<i32>} : memref<28160xf32, #tpu.memory_space<vmem>>, vector<16xf32>,
      %add3A_615 = arith.constant 14080 : i32
      %add3A_616 = arith.addi %add3A_615, %mul3A_612 : i32
      %swap3A_617 = arith.index_cast %add3A_616 : i32 to index
      %swap3A_618 = tpu.vector_load %arg7[%swap3A_617] {strides = array<i32>} : memref<28160xf32, #tpu.memory_space<vmem>>, vector<16xf32>,
      tpu.vector_store %arg7[%swap3A_617], %get3A_614 {strides = array<i32>} : memref<28160xf32, #tpu.memory_space<vmem>>, vector<16xf32>,
      %mul3A_619 = arith.constant 8 : i32
      %mul3A_620 = arith.muli %scan3A_594, %mul3A_619 : i32
      %add3A_621 = arith.constant 2 : i32
      %add3A_622 = arith.addi %mul3A_620, %add3A_621 : i32
      %mul3A_623 = arith.constant 16 : i32
      %mul3A_624 = arith.muli %add3A_622, %mul3A_623 : i32
      %get3A_625 = arith.index_cast %mul3A_624 : i32 to index
      %get3A_626 = tpu.vector_load %arg7[%get3A_625] {strides = array<i32>} : memref<28160xf32, #tpu.memory_space<vmem>>, vector<16xf32>,
      %add3A_627 = arith.constant 14080 : i32
      %add3A_628 = arith.addi %add3A_627, %mul3A_624 : i32
      %swap3A_629 = arith.index_cast %add3A_628 : i32 to index
      %swap3A_630 = tpu.vector_load %arg7[%swap3A_629] {strides = array<i32>} : memref<28160xf32, #tpu.memory_space<vmem>>, vector<16xf32>,
      tpu.vector_store %arg7[%swap3A_629], %get3A_626 {strides = array<i32>} : memref<28160xf32, #tpu.memory_space<vmem>>, vector<16xf32>,
      %mul3A_631 = arith.constant 8 : i32
      %mul3A_632 = arith.muli %scan3A_594, %mul3A_631 : i32
      %add3A_633 = arith.constant 3 : i32
      %add3A_634 = arith.addi %mul3A_632, %add3A_633 : i32
      %mul3A_635 = arith.constant 16 : i32
      %mul3A_636 = arith.muli %add3A_634, %mul3A_635 : i32
      %get3A_637 = arith.index_cast %mul3A_636 : i32 to index
      %get3A_638 = tpu.vector_load %arg7[%get3A_637] {strides = array<i32>} : memref<28160xf32, #tpu.memory_space<vmem>>, vector<16xf32>,
      %add3A_639 = arith.constant 14080 : i32
      %add3A_640 = arith.addi %add3A_639, %mul3A_636 : i32
      %swap3A_641 = arith.index_cast %add3A_640 : i32 to index
      %swap3A_642 = tpu.vector_load %arg7[%swap3A_641] {strides = array<i32>} : memref<28160xf32, #tpu.memory_space<vmem>>, vector<16xf32>,
      tpu.vector_store %arg7[%swap3A_641], %get3A_638 {strides = array<i32>} : memref<28160xf32, #tpu.memory_space<vmem>>, vector<16xf32>,
      %mul3A_643 = arith.constant 8 : i32
      %mul3A_644 = arith.muli %scan3A_594, %mul3A_643 : i32
      %add3A_645 = arith.constant 4 : i32
      %add3A_646 = arith.addi %mul3A_644, %add3A_645 : i32
      %mul3A_647 = arith.constant 16 : i32
      %mul3A_648 = arith.muli %add3A_646, %mul3A_647 : i32
      %get3A_649 = arith.index_cast %mul3A_648 : i32 to index
      %get3A_650 = tpu.vector_load %arg7[%get3A_649] {strides = array<i32>} : memref<28160xf32, #tpu.memory_space<vmem>>, vector<16xf32>,
      %add3A_651 = arith.constant 14080 : i32
      %add3A_652 = arith.addi %add3A_651, %mul3A_648 : i32
      %swap3A_653 = arith.index_cast %add3A_652 : i32 to index
      %swap3A_654 = tpu.vector_load %arg7[%swap3A_653] {strides = array<i32>} : memref<28160xf32, #tpu.memory_space<vmem>>, vector<16xf32>,
      tpu.vector_store %arg7[%swap3A_653], %get3A_650 {strides = array<i32>} : memref<28160xf32, #tpu.memory_space<vmem>>, vector<16xf32>,
      %mul3A_655 = arith.constant 8 : i32
      %mul3A_656 = arith.muli %scan3A_594, %mul3A_655 : i32
      %add3A_657 = arith.constant 5 : i32
      %add3A_658 = arith.addi %mul3A_656, %add3A_657 : i32
      %mul3A_659 = arith.constant 16 : i32
      %mul3A_660 = arith.muli %add3A_658, %mul3A_659 : i32
      %get3A_661 = arith.index_cast %mul3A_660 : i32 to index
      %get3A_662 = tpu.vector_load %arg7[%get3A_661] {strides = array<i32>} : memref<28160xf32, #tpu.memory_space<vmem>>, vector<16xf32>,
      %add3A_663 = arith.constant 14080 : i32
      %add3A_664 = arith.addi %add3A_663, %mul3A_660 : i32
      %swap3A_665 = arith.index_cast %add3A_664 : i32 to index
      %swap3A_666 = tpu.vector_load %arg7[%swap3A_665] {strides = array<i32>} : memref<28160xf32, #tpu.memory_space<vmem>>, vector<16xf32>,
      tpu.vector_store %arg7[%swap3A_665], %get3A_662 {strides = array<i32>} : memref<28160xf32, #tpu.memory_space<vmem>>, vector<16xf32>,
      %mul3A_667 = arith.constant 8 : i32
      %mul3A_668 = arith.muli %scan3A_594, %mul3A_667 : i32
      %add3A_669 = arith.constant 6 : i32
      %add3A_670 = arith.addi %mul3A_668, %add3A_669 : i32
      %mul3A_671 = arith.constant 16 : i32
      %mul3A_672 = arith.muli %add3A_670, %mul3A_671 : i32
      %get3A_673 = arith.index_cast %mul3A_672 : i32 to index
      %get3A_674 = tpu.vector_load %arg7[%get3A_673] {strides = array<i32>} : memref<28160xf32, #tpu.memory_space<vmem>>, vector<16xf32>,
      %add3A_675 = arith.constant 14080 : i32
      %add3A_676 = arith.addi %add3A_675, %mul3A_672 : i32
      %swap3A_677 = arith.index_cast %add3A_676 : i32 to index
      %swap3A_678 = tpu.vector_load %arg7[%swap3A_677] {strides = array<i32>} : memref<28160xf32, #tpu.memory_space<vmem>>, vector<16xf32>,
      tpu.vector_store %arg7[%swap3A_677], %get3A_674 {strides = array<i32>} : memref<28160xf32, #tpu.memory_space<vmem>>, vector<16xf32>,
      %mul3A_679 = arith.constant 8 : i32
      %mul3A_680 = arith.muli %scan3A_594, %mul3A_679 : i32
      %add3A_681 = arith.constant 7 : i32
      %add3A_682 = arith.addi %mul3A_680, %add3A_681 : i32
      %mul3A_683 = arith.constant 16 : i32
      %mul3A_684 = arith.muli %add3A_682, %mul3A_683 : i32
      %get3A_685 = arith.index_cast %mul3A_684 : i32 to index
      %get3A_686 = tpu.vector_load %arg7[%get3A_685] {strides = array<i32>} : memref<28160xf32, #tpu.memory_space<vmem>>, vector<16xf32>,
      %add3A_687 = arith.constant 14080 : i32
      %add3A_688 = arith.addi %add3A_687, %mul3A_684 : i32
      %swap3A_689 = arith.index_cast %add3A_688 : i32 to index
      %swap3A_690 = tpu.vector_load %arg7[%swap3A_689] {strides = array<i32>} : memref<28160xf32, #tpu.memory_space<vmem>>, vector<16xf32>,
      tpu.vector_store %arg7[%swap3A_689], %get3A_686 {strides = array<i32>} : memref<28160xf32, #tpu.memory_space<vmem>>, vector<16xf32>,
    }
    %scan3A_515 = arith.constant 110 : i32
    %mul3A_516 = arith.constant 8 : i32
    %mul3A_517 = arith.muli %add3A, %mul3A_516 : i32
    %add3A_518 = arith.constant 0 : i32
    %add3A_519 = arith.addi %mul3A_517, %add3A_518 : i32
    %mul3A_520 = arith.constant 28160 : i32
    %mul3A_521 = arith.muli %add3A_519, %mul3A_520 : i32
    %mul3A_522 = arith.constant 8 : i32
    %mul3A_523 = arith.muli %add3A, %mul3A_522 : i32
    %add3A_524 = arith.constant 1 : i32
    %add3A_525 = arith.addi %mul3A_523, %add3A_524 : i32
    %mul3A_526 = arith.constant 28160 : i32
    %mul3A_527 = arith.muli %add3A_525, %mul3A_526 : i32
    %mul3A_528 = arith.constant 8 : i32
    %mul3A_529 = arith.muli %add3A, %mul3A_528 : i32
    %add3A_530 = arith.constant 2 : i32
    %add3A_531 = arith.addi %mul3A_529, %add3A_530 : i32
    %mul3A_532 = arith.constant 28160 : i32
    %mul3A_533 = arith.muli %add3A_531, %mul3A_532 : i32
    %mul3A_534 = arith.constant 8 : i32
    %mul3A_535 = arith.muli %add3A, %mul3A_534 : i32
    %add3A_536 = arith.constant 3 : i32
    %add3A_537 = arith.addi %mul3A_535, %add3A_536 : i32
    %mul3A_538 = arith.constant 28160 : i32
    %mul3A_539 = arith.muli %add3A_537, %mul3A_538 : i32
    %mul3A_540 = arith.constant 8 : i32
    %mul3A_541 = arith.muli %add3A, %mul3A_540 : i32
    %add3A_542 = arith.constant 4 : i32
    %add3A_543 = arith.addi %mul3A_541, %add3A_542 : i32
    %mul3A_544 = arith.constant 28160 : i32
    %mul3A_545 = arith.muli %add3A_543, %mul3A_544 : i32
    %mul3A_546 = arith.constant 8 : i32
    %mul3A_547 = arith.muli %add3A, %mul3A_546 : i32
    %add3A_548 = arith.constant 5 : i32
    %add3A_549 = arith.addi %mul3A_547, %add3A_548 : i32
    %mul3A_550 = arith.constant 28160 : i32
    %mul3A_551 = arith.muli %add3A_549, %mul3A_550 : i32
    %mul3A_552 = arith.constant 8 : i32
    %mul3A_553 = arith.muli %add3A, %mul3A_552 : i32
    %add3A_554 = arith.constant 6 : i32
    %add3A_555 = arith.addi %mul3A_553, %add3A_554 : i32
    %mul3A_556 = arith.constant 28160 : i32
    %mul3A_557 = arith.muli %add3A_555, %mul3A_556 : i32
    %mul3A_558 = arith.constant 8 : i32
    %mul3A_559 = arith.muli %add3A, %mul3A_558 : i32
    %add3A_560 = arith.constant 7 : i32
    %add3A_561 = arith.addi %mul3A_559, %add3A_560 : i32
    %mul3A_562 = arith.constant 28160 : i32
    %mul3A_563 = arith.muli %add3A_561, %mul3A_562 : i32
    %dma_start3A = tpu.memref_slice %arg4[%mul3A_521] : memref<7208960xf32, #tpu.memory_space<hbm>> -> memref<28160xf32, #tpu.memory_space<hbm>>
    %dma_start3A_564 = tpu.memref_slice %arg4[%mul3A_521] : memref<7208960xf32, #tpu.memory_space<hbm>> -> memref<28160xf32, #tpu.memory_space<hbm>>
    tpu.enqueue_dma source(%arg7 : memref<28160xf32, #tpu.memory_space<vmem>>) target(%dma_start3A_564 : memref<28160xf32, #tpu.memory_space<hbm>>) target_semaphore(%arg8 : memref<!tpu.dma_semaphore, #tpu.memory_space<semaphore_mem>>)
    %dma_start3A_565 = tpu.memref_slice %arg4[%mul3A_527] : memref<7208960xf32, #tpu.memory_space<hbm>> -> memref<28160xf32, #tpu.memory_space<hbm>>
    %dma_start3A_566 = tpu.memref_slice %arg4[%mul3A_527] : memref<7208960xf32, #tpu.memory_space<hbm>> -> memref<28160xf32, #tpu.memory_space<hbm>>
    tpu.enqueue_dma source(%arg7 : memref<28160xf32, #tpu.memory_space<vmem>>) target(%dma_start3A_566 : memref<28160xf32, #tpu.memory_space<hbm>>) target_semaphore(%arg8 : memref<!tpu.dma_semaphore, #tpu.memory_space<semaphore_mem>>)
    %dma_start3A_567 = tpu.memref_slice %arg4[%mul3A_533] : memref<7208960xf32, #tpu.memory_space<hbm>> -> memref<28160xf32, #tpu.memory_space<hbm>>
    %dma_start3A_568 = tpu.memref_slice %arg4[%mul3A_533] : memref<7208960xf32, #tpu.memory_space<hbm>> -> memref<28160xf32, #tpu.memory_space<hbm>>
    tpu.enqueue_dma source(%arg7 : memref<28160xf32, #tpu.memory_space<vmem>>) target(%dma_start3A_568 : memref<28160xf32, #tpu.memory_space<hbm>>) target_semaphore(%arg8 : memref<!tpu.dma_semaphore, #tpu.memory_space<semaphore_mem>>)
    %dma_start3A_569 = tpu.memref_slice %arg4[%mul3A_539] : memref<7208960xf32, #tpu.memory_space<hbm>> -> memref<28160xf32, #tpu.memory_space<hbm>>
    %dma_start3A_570 = tpu.memref_slice %arg4[%mul3A_539] : memref<7208960xf32, #tpu.memory_space<hbm>> -> memref<28160xf32, #tpu.memory_space<hbm>>
    tpu.enqueue_dma source(%arg7 : memref<28160xf32, #tpu.memory_space<vmem>>) target(%dma_start3A_570 : memref<28160xf32, #tpu.memory_space<hbm>>) target_semaphore(%arg8 : memref<!tpu.dma_semaphore, #tpu.memory_space<semaphore_mem>>)
    %dma_start3A_571 = tpu.memref_slice %arg4[%mul3A_545] : memref<7208960xf32, #tpu.memory_space<hbm>> -> memref<28160xf32, #tpu.memory_space<hbm>>
    %dma_start3A_572 = tpu.memref_slice %arg4[%mul3A_545] : memref<7208960xf32, #tpu.memory_space<hbm>> -> memref<28160xf32, #tpu.memory_space<hbm>>
    tpu.enqueue_dma source(%arg7 : memref<28160xf32, #tpu.memory_space<vmem>>) target(%dma_start3A_572 : memref<28160xf32, #tpu.memory_space<hbm>>) target_semaphore(%arg8 : memref<!tpu.dma_semaphore, #tpu.memory_space<semaphore_mem>>)
    %dma_start3A_573 = tpu.memref_slice %arg4[%mul3A_551] : memref<7208960xf32, #tpu.memory_space<hbm>> -> memref<28160xf32, #tpu.memory_space<hbm>>
    %dma_start3A_574 = tpu.memref_slice %arg4[%mul3A_551] : memref<7208960xf32, #tpu.memory_space<hbm>> -> memref<28160xf32, #tpu.memory_space<hbm>>
    tpu.enqueue_dma source(%arg7 : memref<28160xf32, #tpu.memory_space<vmem>>) target(%dma_start3A_574 : memref<28160xf32, #tpu.memory_space<hbm>>) target_semaphore(%arg8 : memref<!tpu.dma_semaphore, #tpu.memory_space<semaphore_mem>>)
    %dma_start3A_575 = tpu.memref_slice %arg4[%mul3A_557] : memref<7208960xf32, #tpu.memory_space<hbm>> -> memref<28160xf32, #tpu.memory_space<hbm>>
    %dma_start3A_576 = tpu.memref_slice %arg4[%mul3A_557] : memref<7208960xf32, #tpu.memory_space<hbm>> -> memref<28160xf32, #tpu.memory_space<hbm>>
    tpu.enqueue_dma source(%arg7 : memref<28160xf32, #tpu.memory_space<vmem>>) target(%dma_start3A_576 : memref<28160xf32, #tpu.memory_space<hbm>>) target_semaphore(%arg8 : memref<!tpu.dma_semaphore, #tpu.memory_space<semaphore_mem>>)
    %dma_start3A_577 = tpu.memref_slice %arg4[%mul3A_563] : memref<7208960xf32, #tpu.memory_space<hbm>> -> memref<28160xf32, #tpu.memory_space<hbm>>
    %dma_start3A_578 = tpu.memref_slice %arg4[%mul3A_563] : memref<7208960xf32, #tpu.memory_space<hbm>> -> memref<28160xf32, #tpu.memory_space<hbm>>
    tpu.enqueue_dma source(%arg7 : memref<28160xf32, #tpu.memory_space<vmem>>) target(%dma_start3A_578 : memref<28160xf32, #tpu.memory_space<hbm>>) target_semaphore(%arg8 : memref<!tpu.dma_semaphore, #tpu.memory_space<semaphore_mem>>)
    %dma_wait3A = tpu.memref_slice %arg4[%mul3A_521] : memref<7208960xf32, #tpu.memory_space<hbm>> -> memref<28160xf32, #tpu.memory_space<hbm>>
    %dma_wait3A_579 = tpu.memref_slice %arg4[%mul3A_521] : memref<7208960xf32, #tpu.memory_space<hbm>> -> memref<28160xf32, #tpu.memory_space<hbm>>
    tpu.wait_dma2 semaphore(%arg8 : memref<!tpu.dma_semaphore, #tpu.memory_space<semaphore_mem>>) src(%arg7 : memref<28160xf32, #tpu.memory_space<vmem>>) dst(%dma_wait3A_579 : memref<28160xf32, #tpu.memory_space<hbm>>)
    %dma_wait3A_580 = tpu.memref_slice %arg4[%mul3A_527] : memref<7208960xf32, #tpu.memory_space<hbm>> -> memref<28160xf32, #tpu.memory_space<hbm>>
    %dma_wait3A_581 = tpu.memref_slice %arg4[%mul3A_527] : memref<7208960xf32, #tpu.memory_space<hbm>> -> memref<28160xf32, #tpu.memory_space<hbm>>
    tpu.wait_dma2 semaphore(%arg8 : memref<!tpu.dma_semaphore, #tpu.memory_space<semaphore_mem>>) src(%arg7 : memref<28160xf32, #tpu.memory_space<vmem>>) dst(%dma_wait3A_581 : memref<28160xf32, #tpu.memory_space<hbm>>)
    %dma_wait3A_582 = tpu.memref_slice %arg4[%mul3A_533] : memref<7208960xf32, #tpu.memory_space<hbm>> -> memref<28160xf32, #tpu.memory_space<hbm>>
    %dma_wait3A_583 = tpu.memref_slice %arg4[%mul3A_533] : memref<7208960xf32, #tpu.memory_space<hbm>> -> memref<28160xf32, #tpu.memory_space<hbm>>
    tpu.wait_dma2 semaphore(%arg8 : memref<!tpu.dma_semaphore, #tpu.memory_space<semaphore_mem>>) src(%arg7 : memref<28160xf32, #tpu.memory_space<vmem>>) dst(%dma_wait3A_583 : memref<28160xf32, #tpu.memory_space<hbm>>)
    %dma_wait3A_584 = tpu.memref_slice %arg4[%mul3A_539] : memref<7208960xf32, #tpu.memory_space<hbm>> -> memref<28160xf32, #tpu.memory_space<hbm>>
    %dma_wait3A_585 = tpu.memref_slice %arg4[%mul3A_539] : memref<7208960xf32, #tpu.memory_space<hbm>> -> memref<28160xf32, #tpu.memory_space<hbm>>
    tpu.wait_dma2 semaphore(%arg8 : memref<!tpu.dma_semaphore, #tpu.memory_space<semaphore_mem>>) src(%arg7 : memref<28160xf32, #tpu.memory_space<vmem>>) dst(%dma_wait3A_585 : memref<28160xf32, #tpu.memory_space<hbm>>)
    %dma_wait3A_586 = tpu.memref_slice %arg4[%mul3A_545] : memref<7208960xf32, #tpu.memory_space<hbm>> -> memref<28160xf32, #tpu.memory_space<hbm>>
    %dma_wait3A_587 = tpu.memref_slice %arg4[%mul3A_545] : memref<7208960xf32, #tpu.memory_space<hbm>> -> memref<28160xf32, #tpu.memory_space<hbm>>
    tpu.wait_dma2 semaphore(%arg8 : memref<!tpu.dma_semaphore, #tpu.memory_space<semaphore_mem>>) src(%arg7 : memref<28160xf32, #tpu.memory_space<vmem>>) dst(%dma_wait3A_587 : memref<28160xf32, #tpu.memory_space<hbm>>)
    %dma_wait3A_588 = tpu.memref_slice %arg4[%mul3A_551] : memref<7208960xf32, #tpu.memory_space<hbm>> -> memref<28160xf32, #tpu.memory_space<hbm>>
    %dma_wait3A_589 = tpu.memref_slice %arg4[%mul3A_551] : memref<7208960xf32, #tpu.memory_space<hbm>> -> memref<28160xf32, #tpu.memory_space<hbm>>
    tpu.wait_dma2 semaphore(%arg8 : memref<!tpu.dma_semaphore, #tpu.memory_space<semaphore_mem>>) src(%arg7 : memref<28160xf32, #tpu.memory_space<vmem>>) dst(%dma_wait3A_589 : memref<28160xf32, #tpu.memory_space<hbm>>)
    %dma_wait3A_590 = tpu.memref_slice %arg4[%mul3A_557] : memref<7208960xf32, #tpu.memory_space<hbm>> -> memref<28160xf32, #tpu.memory_space<hbm>>
    %dma_wait3A_591 = tpu.memref_slice %arg4[%mul3A_557] : memref<7208960xf32, #tpu.memory_space<hbm>> -> memref<28160xf32, #tpu.memory_space<hbm>>
    tpu.wait_dma2 semaphore(%arg8 : memref<!tpu.dma_semaphore, #tpu.memory_space<semaphore_mem>>) src(%arg7 : memref<28160xf32, #tpu.memory_space<vmem>>) dst(%dma_wait3A_591 : memref<28160xf32, #tpu.memory_space<hbm>>)
    %dma_wait3A_592 = tpu.memref_slice %arg4[%mul3A_563] : memref<7208960xf32, #tpu.memory_space<hbm>> -> memref<28160xf32, #tpu.memory_space<hbm>>
    %dma_wait3A_593 = tpu.memref_slice %arg4[%mul3A_563] : memref<7208960xf32, #tpu.memory_space<hbm>> -> memref<28160xf32, #tpu.memory_space<hbm>>
    tpu.wait_dma2 semaphore(%arg8 : memref<!tpu.dma_semaphore, #tpu.memory_space<semaphore_mem>>) src(%arg7 : memref<28160xf32, #tpu.memory_space<vmem>>) dst(%dma_wait3A_593 : memref<28160xf32, #tpu.memory_space<hbm>>)
    return
  }
}

module attributes {stable_mosaic.version = 14 : i64} {
  func.func @_tc_body(%arg0: i32, %arg1: memref<440x128xi32, #tpu.memory_space<vmem>>, %arg2: memref<8x2x4096xf32, #tpu.memory_space<vmem>>, %arg3: memref<512x128xf32, #tpu.memory_space<vmem>>, %arg4: memref<7040x128xi32, #tpu.memory_space<vmem>>, %arg5: memref<256x128xi32, #tpu.memory_space<vmem>>) attributes {dimension_semantics = [#tpu.dimension_semantics<arbitrary>], iteration_bounds = array<i64: 16>, scalar_prefetch = 0 : i64, scratch_operands = 0 : i64, tpu.core_type = #tpu.core_type<tc>, window_params = [{pipeline_mode = #tpu.pipeline_mode<synchronous>, transform_indices = @transform_0, window_bounds = array<i64: 440, 128>}, {transform_indices = @transform_1, window_bounds = array<i64: 8, 2, 4096>}, {transform_indices = @transform_2, window_bounds = array<i64: 512, 128>}, {transform_indices = @transform_3, window_bounds = array<i64: 7040, 128>}, {transform_indices = @transform_4, window_bounds = array<i64: 256, 128>}]} {
    %iota3A = tpu.iota {dimensions = array<i32: 0>} : vector<16x1x1xi32>
    %get3A = arith.constant 0 : index
    %get3A_0 = arith.constant 0 : index
    %get3A_1 = vector.load %arg1[%get3A, %get3A_0] : memref<440x128xi32, #tpu.memory_space<vmem>>, vector<440x128xi32>
    %broadcast_in_dim3A = vector.shape_cast %get3A_1 : vector<440x128xi32> to vector<1x440x128xi32>
    %mul3A = arith.constant 16 : i32
    %mul3A_2 = arith.muli %arg0, %mul3A : i32
    %add3A = vector.broadcast %mul3A_2 : i32 to vector<16x1x1xi32>
    %add3A_3 = arith.addi %iota3A, %add3A : vector<16x1x1xi32>
    %mul3A_4 = arith.constant 2048 : i32
    %mul3A_5 = vector.broadcast %mul3A_4 : i32 to vector<16x1x1xi32>
    %mul3A_6 = arith.muli %add3A_3, %mul3A_5 : vector<16x1x1xi32>
    %add3A_7 = vector.broadcast %broadcast_in_dim3A : vector<1x440x128xi32> to vector<16x440x128xi32>
    %add3A_8 = vector.broadcast %mul3A_6 : vector<16x1x1xi32> to vector<16x440x128xi32>
    %add3A_9 = arith.addi %add3A_7, %add3A_8 : vector<16x440x128xi32>
    %reshape3A = vector.shape_cast %add3A_9 : vector<16x440x128xi32> to vector<7040x128xi32>
    %swap3A = arith.constant 0 : index
    %swap3A_10 = arith.constant 0 : index
    %swap3A_11 = vector.load %arg4[%swap3A, %swap3A_10] : memref<7040x128xi32, #tpu.memory_space<vmem>>, vector<7040x128xi32>
    tpu.vector_store %arg4[%swap3A, %swap3A_10], %reshape3A {strides = array<i32>} : memref<7040x128xi32, #tpu.memory_space<vmem>>, vector<7040x128xi32>,
    %iota3A_12 = tpu.iota {dimensions = array<i32: 0>} : vector<256x128xi32>
    %iota3A_13 = tpu.iota {dimensions = array<i32: 1>} : vector<256x128xi32>
    %mul3A_14 = arith.constant 256 : i32
    %mul3A_15 = arith.muli %arg0, %mul3A_14 : i32
    %add3A_16 = vector.broadcast %mul3A_15 : i32 to vector<256x128xi32>
    %add3A_17 = arith.addi %add3A_16, %iota3A_12 : vector<256x128xi32>
    %mul3A_18 = arith.constant 4 : i32
    %mul3A_19 = vector.broadcast %mul3A_18 : i32 to vector<256x128xi32>
    %mul3A_20 = arith.muli %add3A_17, %mul3A_19 : vector<256x128xi32>
    %shift_right_logical3A = arith.constant 5 : i32
    %shift_right_logical3A_21 = vector.broadcast %shift_right_logical3A : i32 to vector<256x128xi32>
    %shift_right_logical3A_22 = arith.shrui %iota3A_13, %shift_right_logical3A_21 : vector<256x128xi32>
    %add3A_23 = arith.addi %mul3A_20, %shift_right_logical3A_22 : vector<256x128xi32>
    %swap3A_24 = arith.constant 0 : index
    %swap3A_25 = arith.constant 0 : index
    %swap3A_26 = vector.load %arg5[%swap3A_24, %swap3A_25] : memref<256x128xi32, #tpu.memory_space<vmem>>, vector<256x128xi32>
    tpu.vector_store %arg5[%swap3A_24, %swap3A_25], %add3A_23 {strides = array<i32>} : memref<256x128xi32, #tpu.memory_space<vmem>>, vector<256x128xi32>,
    %get3A_27 = arith.constant 0 : index
    %get3A_28 = arith.constant 0 : index
    %get3A_29 = arith.constant 0 : index
    %get3A_30 = vector.load %arg2[%get3A_27, %get3A_28, %get3A_29] : memref<8x2x4096xf32, #tpu.memory_space<vmem>>, vector<8x2x4096xf32>
    %reshape3A_31 = vector.shape_cast %get3A_30 : vector<8x2x4096xf32> to vector<8x2x32x128xf32>
    %transpose3A = tpu.transpose %reshape3A_31, [0, 2, 1, 3] : vector<8x2x32x128xf32> -> vector<8x32x2x128xf32>
    %reshape3A_32 = vector.shape_cast %transpose3A : vector<8x32x2x128xf32> to vector<512x128xf32>
    %swap3A_33 = arith.constant 0 : index
    %swap3A_34 = arith.constant 0 : index
    %swap3A_35 = vector.load %arg3[%swap3A_33, %swap3A_34] : memref<512x128xf32, #tpu.memory_space<vmem>>, vector<512x128xf32>
    tpu.vector_store %arg3[%swap3A_33, %swap3A_34], %reshape3A_32 {strides = array<i32>} : memref<512x128xf32, #tpu.memory_space<vmem>>, vector<512x128xf32>,
    return
  }
  func.func @transform_0(%arg0: i32) -> (i32, i32) {
    %c0_i32 = arith.constant 0 : i32
    %c0_i32_0 = arith.constant 0 : i32
    %c0_i32_1 = arith.constant 0 : i32
    return %c0_i32, %c0_i32_0 : i32, i32
  }
  func.func @transform_1(%arg0: i32) -> (i32, i32, i32) {
    %c0_i32 = arith.constant 0 : i32
    %c0_i32_0 = arith.constant 0 : i32
    %c0_i32_1 = arith.constant 0 : i32
    return %arg0, %c0_i32, %c0_i32_0 : i32, i32, i32
  }
  func.func @transform_2(%arg0: i32) -> (i32, i32) {
    %c0_i32 = arith.constant 0 : i32
    %c0_i32_0 = arith.constant 0 : i32
    return %arg0, %c0_i32 : i32, i32
  }
  func.func @transform_3(%arg0: i32) -> (i32, i32) {
    %c0_i32 = arith.constant 0 : i32
    %c0_i32_0 = arith.constant 0 : i32
    return %arg0, %c0_i32 : i32, i32
  }
  func.func @transform_4(%arg0: i32) -> (i32, i32) {
    %c0_i32 = arith.constant 0 : i32
    %c0_i32_0 = arith.constant 0 : i32
    return %arg0, %c0_i32 : i32, i32
  }
}

</mosaic_0001>

<sc_bundles>
// kernel: kernel.4.cloned.1.call-start
scs
__scs_entry_jumppad:
0x0: {  	(pc) =	sbr.rel $0x88, $3  }
0x1: {  	(tag) =	ssettag $0x0;
	lr =	simm.s32 $0x1  }
0x2: {  	[smem:$0x3F9D] =	sst lr;
	_ =	strace $0xD0000000  }
0x3: {  	_ = 	snop  }
0x4: {  	_ = 	snop  }
0x5: {  	_ = 	snop  }
0x6: {  	_ = 	snop  }
0x7: {  	_ = 	snop  }
__scs_overlays_trampoline_lowered:
0x8: {  	[smem:$0x3FAC] =	sst s0  }
0x9: {  	[smem:$0x3FAD] =	sst s1  }
0xa: {  	[smem:$0x3FAE] =	sst s2  }
0xb: {  	[smem:$0x3FAF] =	sst s3  }
0xc: {  	[smem:$0x3FB0] =	sst s4  }
0xd: {  	[smem:$0x3FB1] =	sst s5  }
0xe: {  	[smem:$0x3FB2] =	sst s6  }
0xf: {  	[smem:$0x3FB3] =	sst s7  }
0x10: {  	[smem:$0x3FB4] =	sst s8  }
0x11: {  	[smem:$0x3FB5] =	sst s9;
	s0 =	simm.s32 @!p0 $0x0  }
0x12: {  	s1 =	sld [smem:$0x3F9B];
	s0 =	simm.s32 @p0 $0x1  }
0x13: {  	[smem:$0x3FB6] =	sst s0;
	s0 =	simm.s32 @!p1 $0x0  }
0x14: {  	s2 =	sld [smem:$0x3F9A];
	s0 =	simm.s32 @p1 $0x1  }
0x15: {  	[smem:$0x3FB7] =	sst s0;
	s0 =	simm.s32 @!p2 $0x0  }
0x16: {  	s3 =	sld [smem:$0x3FDB];
	s0 =	simm.s32 @p2 $0x1  }
0x17: {  	s4 =	simm.s32 $0x1BF5;
	[smem:$0x3FB9] =	sst s0  }
0x18: {  	s0 =	sld [smem:$0x3F9C];
	_ =	swait.ge [sflag:s4], $0x0  }
0x19: {  	s7 =	sld [smem:$0x3F9D]  }
0x1a: {  	s8 =	sadd.s32 $0xFFFFE003, lr  }
0x1b: {  	s9 =	sadd.s32 $0xFFFFFEF7, lr;
	s5 =	simm.s32 $0xFFFFFFFF;
	p2 =	slt.u32 s8, $0xFFFFF086  }
0x1c: {  	p1 =	slt.u32 s9, $0xF7A;
	s5 =	simm.s32 @!p2 $0x0  }
0x1d: {  	s5 =	simm.s32 @p1 $0x1;
	p0 =	seq.s32 s7, s2  }
0x1e: {  	s7 =	smul.u32 @!p0 $0xF7A, s2;
	p2 =	seq.s32 @!p0 s5, $0x0  }
0x1f: {  	s9 =	smul.u32 $0xF7A, s1;
	s8 =	simm.s32 @!p0 $0x1BF5;
	p2 =	por !p2, p0  }
0x20: {  	[sflag:s8] =	ssyncset.s32 @!p0 $0xFFFFF086;
	s6 =	sadd.s32 @!p0 s3, s7;
	s7 =	simm.s32 @!p0 $0x108  }
0x21: {  	s3 =	sadd.s32 s3, s9;
	s6 =	sadd.s32 @!p0 $0x88, s6;
	s7 =	simm.s32 @p2 $0x1082  }
0x22: {  	[simem:s7], [sflag:s8] =	dma.local @!p0 [hbm:s6], $0xF7A  }
0x23: {  	s9 =	sor.u32 $0xD0000000, s2;
	s6 =	simm.s32 $0x108;
	_ =	swait.ge @!p0 [sflag:s8], $0x0  }
0x24: {  	s3 =	sadd.s32 $0x88, s3;
	s6 =	simm.s32 @!p1 $0x1082;
	[sflag:s4] =	ssyncset.s32 $0xFFFFF086  }
0x25: {  	[simem:s6], [sflag:s4] =	dma.local [hbm:s3], $0xF7A  }
0x26: {  	[smem:$0x3F9D] =	sst s1;
	(tag) =	ssettag s2;
	_ =	strace s9  }
0x27: {  	s1 =	sld [smem:$0x3FAD]  }
0x28: {  	s2 =	sld [smem:$0x3FAE]  }
0x29: {  	s4 =	sld [smem:$0x3FB0]  }
0x2a: {  	p0 =	seq.s32 s5, $0x0;
	s5 =	sld [smem:$0x3FB1]  }
0x2b: {  	s6 =	sld [smem:$0x3FB2]  }
0x2c: {  	s7 =	sld [smem:$0x3FB3]  }
0x2d: {  	s3 =	simm.s32 $0x108;
	s8 =	sld [smem:$0x3FB4]  }
0x2e: {  	s3 =	simm.s32 @!p0 $0x1082;
	s9 =	sld [smem:$0x3FB5]  }
0x2f: {  	lr =	sadd.s32 s0, s3;
	s0 =	sld [smem:$0x3FAC]  }
0x30: {  	s3 =	sld [smem:$0x3FAF]  }
0x31: {  	[smem:$0x3FB8] =	sst s10  }
0x32: {  	s10 =	sld [smem:$0x3FB6];
	_ =	sdelay $0x3  }
0x33: {  	p0 =	seq.s32 s10, $0x1;
	s10 =	sld [smem:$0x3FB8];
	_ =	sdelay $0x3  }
0x34: {  	[smem:$0x3FB8] =	sst s10  }
0x35: {  	s10 =	sld [smem:$0x3FB7];
	_ =	sdelay $0x3  }
0x36: {  	p1 =	seq.s32 s10, $0x1;
	s10 =	sld [smem:$0x3FB8];
	_ =	sdelay $0x3  }
0x37: {  	[smem:$0x3FB8] =	sst s10  }
0x38: {  	s10 =	sld [smem:$0x3FB9]  }
0x39: {  	_ = 	snop;
	(pc) =	sbr.ind lr, $3  }
0x3a: {  	_ = 	snop  }
0x3b: {  	_ = 	snop  }
0x3c: {  	p2 =	seq.s32 s10, $0x1;
	s10 =	sld [smem:$0x3FB8]  }
0x3d: {  	_ =	shalt  }
0x3e: {  	_ =	shalt  }
0x3f: {  	_ =	shalt  }
0x40: {  	_ =	shalt  }
0x41: {  	_ =	shalt  }
0x42: {  	_ =	shalt  }
0x43: {  	_ =	shalt  }
0x44: {  	_ =	shalt  }
0x45: {  	_ =	shalt  }
0x46: {  	_ =	shalt  }
0x47: {  	_ =	shalt  }
0x48: {  	_ =	shalt  }
0x49: {  	_ =	shalt  }
0x4a: {  	_ =	shalt  }
0x4b: {  	_ =	shalt  }
0x4c: {  	_ =	shalt  }
0x4d: {  	_ =	shalt  }
0x4e: {  	_ =	shalt  }
0x4f: {  	_ =	shalt  }
0x50: {  	_ =	shalt  }
0x51: {  	_ =	shalt  }
0x52: {  	_ =	shalt  }
0x53: {  	_ =	shalt  }
0x54: {  	_ =	shalt  }
0x55: {  	_ =	shalt  }
0x56: {  	_ =	shalt  }
0x57: {  	_ =	shalt  }
0x58: {  	_ =	shalt  }
0x59: {  	_ =	shalt  }
0x5a: {  	_ =	shalt  }
0x5b: {  	_ =	shalt  }
0x5c: {  	_ =	shalt  }
0x5d: {  	_ =	shalt  }
0x5e: {  	_ =	shalt  }
0x5f: {  	_ =	shalt  }
0x60: {  	_ =	shalt  }
0x61: {  	_ =	shalt  }
0x62: {  	_ =	shalt  }
0x63: {  	_ =	shalt  }
0x64: {  	_ =	shalt  }
0x65: {  	_ =	shalt  }
0x66: {  	_ =	shalt  }
0x67: {  	_ =	shalt  }
0x68: {  	_ =	shalt  }
0x69: {  	_ =	shalt  }
0x6a: {  	_ =	shalt  }
0x6b: {  	_ =	shalt  }
0x6c: {  	_ =	shalt  }
0x6d: {  	_ =	shalt  }
0x6e: {  	_ =	shalt  }
0x6f: {  	_ =	shalt  }
0x70: {  	_ =	shalt  }
0x71: {  	_ =	shalt  }
0x72: {  	_ =	shalt  }
0x73: {  	_ =	shalt  }
0x74: {  	_ =	shalt  }
0x75: {  	_ =	shalt  }
0x76: {  	_ =	shalt  }
0x77: {  	_ =	shalt  }
0x78: {  	_ =	shalt  }
0x79: {  	_ =	shalt  }
0x7a: {  	_ =	shalt  }
0x7b: {  	_ =	shalt  }
0x7c: {  	_ =	shalt  }
0x7d: {  	_ =	shalt  }
0x7e: {  	_ =	shalt  }
0x7f: {  	_ =	shalt  }
0x80: {  	_ =	shalt  }
0x81: {  	_ =	shalt  }
0x82: {  	_ =	shalt  }
0x83: {  	_ =	shalt  }
0x84: {  	_ =	shalt  }
0x85: {  	_ =	shalt  }
0x86: {  	_ =	shalt  }
0x87: {  	_ =	shalt  }
.Lfunc_end0:
.L_simem_size_0:
called_computation_lowered:
.L_overlay_start_0:
0x88: {  	s2 =	sld [smem:$0x3FD9]  }
0x89: {  	s3 =	sld [smem:$0x3FFE];
	_ =	sdelay $0x1  }
0x8a: {  	s1 =	srdreg.scid  }
0x8b: {  	s0 =	sand.u32 $0x1, s1  }
0x8c: {  	s14 =	sshll.u32 s0, $0xA;
	s2 =	sadd.s32 s3, s2  }
0x8d: {  	s2 =	sadd.s32 s2, s14  }
0x8e: {  	[smem:$0x3FC4] =	sst s2  }
0x8f: {  	_ = 	snop  }
0x90: {  	s2 =	sld [smem:$0x3FD0];
	_ =	sdelay $0x2  }
0x91: {  	s15 =	simm.s32 $0xA;
	s4 =	simm.s32 $0x10  }
0x92: {  	[smem:s4], [sflag:s15] =	dma.local [hbm:s2], $0x1  }
0x93: {  	_ =	swait.eq [sflag:s15], $0x1  }
0x94: {  	[sflag:s15] =	ssyncset.done $0x0  }
0x95: {  	[sflag:s15] =	ssyncadd.s32 $0xFFFFFFFF  }
0x96: {  	s16 =	sld [smem:$0x12];
	(tm) =	ssettm $0x1  }
0x97: {  	s17 =	sld [smem:$0x3FFB];
	_ =	sdelay $0x3  }
0x98: {  	_ =	strace s17  }
0x99: {  	s3 =	sld [smem:$0x3FFC];
	_ =	sdelay $0x3  }
0x9a: {  	_ =	strace s3  }
0x9b: {  	s3 =	sld [smem:$0x3FFD];
	_ =	sdelay $0x3  }
0x9c: {  	_ =	strace s3  }
0x9d: {  	_ =	strace $0x8FFFFFFF  }
0x9e: {  	s18 =	sld [smem:$0x3FDB];
	_ =	sdelay $0x1  }
0x9f: {  	s19 =	simm.s32 $_scs_section_size  }
0xa0: {  	s5 =	simm.s32 $_size__tile_overlayer_lowered;
	s6 =	simm.s32 $_tile_overlayer_lowered  }
0xa1: {  	s22 =	simm.s32 $0x1BFF;
	s21 =	sshll.u32 s6, $0x1;
	s3 =	sadd.s32 s19, s18  }
0xa2: {  	s7 =	simm.s32 $0x0;
	s20 =	sshll.u32 s5, $0x1;
	s5 =	sadd.s32 s21, s3  }
0xa3: {  	[timem:s7], [sflag:s22] =	dma.local [hbm:s5], s20  }
0xa4: {  	_ =	swait.ge [sflag:s22], s20  }
0xa5: {  	s4 =	ssub.s32 $0x0, s20;
	[sflag:s22] =	ssyncset.done $0x0  }
0xa6: {  	[sflag:s22] =	ssyncadd.s32 s4;
	_ =	sdelay $0x1  }
0xa7: {  	s23 =	simm.s32 $0x1B8B  }
0xa8: {  	_ =	swait.ge [sflag:s23], $0x1  }
0xa9: {  	[sflag:s23] =	ssyncset.done $0x0  }
0xaa: {  	s25 =	simm.s32 $0x1B8E;
	s24 =	sld [smem:$0x3FFE];
	[sflag:s23] =	ssyncadd.s32 $0xFFFFFFFF  }
0xab: {  	s26 =	simm.s32 $execute0_lowered;
	[smem:$0x3FD2] =	sst s25  }
0xac: {  	s5 =	sshll.u32 s26, $0x1;
	_ =	strace $0x80000046;
	[dreg:$0x1] =	wrdreg $0xFFFFFFFF  }
0xad: {  	s28 =	simm.s32 $_size_execute0_lowered;
	s3 =	sadd.s32 s3, s5;
	[dreg:$0x0] =	wrdreg $0x0  }
0xae: {  	s5 =	sshll.u32 s28, $0x1;
	[dreg:$0x2] =	wrdreg s3  }
0xaf: {  	[dreg:$0x3] =	wrdreg s5  }
0xb0: {  	[dreg:$0x4] =	wrdreg $0xC0  }
0xb1: {  	_ =	task [dreg:s7], $0x5FFFF  }
0xb2: {  	[dreg:$0x1] =	wrdreg $0xFFFFFFFF  }
0xb3: {  	[dreg:$0x0] =	wrdreg $0x60  }
0xb4: {  	[dreg:$0x2] =	wrdreg s24  }
0xb5: {  	[dreg:$0x3] =	wrdreg s16  }
0xb6: {  	[dreg:$0x4] =	wrdreg $0x9  }
0xb7: {  	_ =	task.clear_ibuf [dreg:s7], $0x5FFFF;
	_ =	strace $0x90000046  }
0xb8: {  	s29 =	simm.s32 $0x9;
	_ =	strace $0x80000048  }
0xb9: {  	_ =	swait.ge [sflag:s29], $0x1  }
0xba: {  	[sflag:s29] =	ssyncadd.s32 $0xFFFFFFFF  }
0xbb: {  	_ =	strace $0x90000048  }
0xbc: {  	_ =	sfence  }
0xbd: {  	s30 =	sld [smem:$0x0];
	_ =	sdelay $0x2  }
0xbe: {  	s31 =	sshll.u32 s1, $0xD;
	s1 =	sshrl.u32 s1, $0x2  }
0xbf: {  	s3 =	sand.u32 $0x4000, s31;
	s1 =	sadd.s32 s1, s30  }
0xc0: {  	s0 =	sor.u32 s3, s0;
	s1 =	sshll.u32 s1, $0x11  }
0xc1: {  	s0 =	sor.u32 s1, s0  }
0xc2: {  	s0 =	sadd.s32 $0x8F2B, s0  }
0xc3: {  	[sflag:s0] =	ssyncadd.remote.s32 $0x1  }
0xc4: {  	_ =	sfence.sel $0xFFFF  }
0xc5: {  	[dreg:$0x0] =	wrdreg $0xFFFFFFFF;
	(pc) =	sbr.abs _section_cstart, $3  }
0xc6: {  	[dreg:$0x1] =	wrdreg $0xFFFFFFFF  }
0xc7: {  	_ =	task.clear_ibuf [dreg:s7], $0x2FFFF;
	_ =	strace $0x9FFFFFFF  }
0xc8: {  	(tm) =	ssettm $0x7FFFFFFF  }
0xc9: {  	_ =	shalt  }
tec
execute0_lowered:
.L_overlay_start_1:
0x0: {  	(tag) =	ssettag $0x1  }
0x1: {  	s4 =	rddreg [dreg:$0x0];
	s1 =	srdreg.scid  }
0x2: {  	s0 =	stileid.u32;
	s5 =	rddreg [dreg:$0x1]  }
0x3: {  	s2 =	simm.s32 $0x0;
	s14 =	simm.s32 $0x2;
	s15 =	simm.s32 $0x80  }
0x4: {  	s16 =	simm.s32 $0x400;
	s6 =	sand.u32 $0x1, s1;
	s3 =	sshll.u32 s0, $0x1  }
0x5: {  	s17 =	simm.s32 $0x1;
	s1 =	rddreg [dreg:$0x2];
	s7 =	sor.u32 s6, s3  }
0x6: {  	s18 =	simm.s32 $0x0;
	[smem:$0x7FF] =	sst s2;
	s8 =	smul.u32 $0x37000, s7  }
0x7: {  	_ =	strace $0x80000047;
	s3 =	sadd.s32 $0xC00, s4;
	s6 =	ssub.s32 $0x2, s6  }
0x8: {  	s7 =	smul.u32 $0x6E00, s7;
	s9 =	sshrl.u32 s6, $0x1;
	s8 =	sshrl.u32 s8, $0x3  }
0x9: {  	s4 =	sadd.s32 $0xA00, s4;
	s13 =	ssub.s32 s6, s9;
	s12 =	sadd.s32 s5, s8  }
0xa: {  	s13 =	smax.u32 s13, $0x1;
	s5 =	sadd.s32 s5, s7;
	s6 =	sadd.s32 $0xDC0, s12  }
0xb: {  	s7 =	sadd.s32 $0x1B80, s12;
	s8 =	sadd.s32 $0x2940, s12;
	s9 =	sadd.s32 $0x3700, s12  }
0xc: {  	s10 =	sadd.s32 $0x44C0, s12;
	s11 =	sadd.s32 $0x5280, s12;
	s12 =	sadd.s32 $0x6040, s12  }
.LBB2_1:
0xd: {  	[tilespmem:s2], [sflag:$0x2] =	stream.linear.gather [hbm4b:s3+s2], $0x80, $0x38;
	[tilespmem:$0x7200] =	vst v63  }
0xe: {  	_ =	swait.ge [sflag:s14], $0x80  }
0xf: {  	[sflag:s14] =	ssyncset.done $0x0  }
0x10: {  	[sflag:s14] =	ssyncadd.s32 $0xFFFFFF80  }
0x11: {  	[tilespmem:s15], [sflag:$0x2] =	stream.linear.gather [hbm4b:s4+s2], $0x380, $0x38;
	[tilespmem:$0x7200] =	vst v63  }
0x12: {  	_ =	swait.ge [sflag:s14], $0x380  }
0x13: {  	[sflag:s14] =	ssyncset.done $0x0  }
0x14: {  	[sflag:s14] =	ssyncadd.s32 $0xFFFFFC80  }
0x15: {  	v0 =	vld [tilespmem:$0x80];
	_ =	sdelay $0x5  }
0x16: {  	v1 =	vld [tilespmem:$0x90];
	_ =	sdelay $0x1  }
0x17: {  	v0 =	vld.idx.msk [tilespmem:v0+s2+$0x0], $0xffff;
	_ =	sdelay $0x3  }
0x18: {  	v2 =	vld [tilespmem:$0xA0]  }
0x19: {  	[tilespmem:$0x400] =	vst v0  }
0x1a: {  	v1 =	vld.idx.msk [tilespmem:v1+s2+$0x0], $0xffff;
	_ =	sdelay $0x3  }
0x1b: {  	v3 =	vld [tilespmem:$0xB0]  }
0x1c: {  	[tilespmem:$0x410] =	vst v1  }
0x1d: {  	v2 =	vld.idx.msk [tilespmem:v2+s2+$0x0], $0xffff;
	_ =	sdelay $0x3  }
0x1e: {  	v4 =	vld [tilespmem:$0xC0]  }
0x1f: {  	[tilespmem:$0x420] =	vst v2  }
0x20: {  	v3 =	vld.idx.msk [tilespmem:v3+s2+$0x0], $0xffff;
	_ =	sdelay $0x3  }
0x21: {  	v5 =	vld [tilespmem:$0xD0]  }
0x22: {  	[tilespmem:$0x430] =	vst v3  }
0x23: {  	v4 =	vld.idx.msk [tilespmem:v4+s2+$0x0], $0xffff;
	_ =	sdelay $0x3  }
0x24: {  	v6 =	vld [tilespmem:$0xE0]  }
0x25: {  	[tilespmem:$0x440] =	vst v4  }
0x26: {  	v5 =	vld.idx.msk [tilespmem:v5+s2+$0x0], $0xffff;
	_ =	sdelay $0x3  }
0x27: {  	v7 =	vld [tilespmem:$0xF0]  }
0x28: {  	[tilespmem:$0x450] =	vst v5  }
0x29: {  	v6 =	vld.idx.msk [tilespmem:v6+s2+$0x0], $0xffff;
	_ =	sdelay $0x3  }
0x2a: {  	v8 =	vld [tilespmem:$0x100]  }
0x2b: {  	[tilespmem:$0x460] =	vst v6  }
0x2c: {  	v7 =	vld.idx.msk [tilespmem:v7+s2+$0x0], $0xffff;
	_ =	sdelay $0x3  }
0x2d: {  	v9 =	vld [tilespmem:$0x110]  }
0x2e: {  	[tilespmem:$0x470] =	vst v7  }
0x2f: {  	v8 =	vld.idx.msk [tilespmem:v8+s2+$0x0], $0xffff;
	_ =	sdelay $0x3  }
0x30: {  	v10 =	vld [tilespmem:$0x120]  }
0x31: {  	[tilespmem:$0x480] =	vst v8  }
0x32: {  	v9 =	vld.idx.msk [tilespmem:v9+s2+$0x0], $0xffff;
	_ =	sdelay $0x3  }
0x33: {  	v11 =	vld [tilespmem:$0x130]  }
0x34: {  	[tilespmem:$0x490] =	vst v9  }
0x35: {  	v10 =	vld.idx.msk [tilespmem:v10+s2+$0x0], $0xffff;
	_ =	sdelay $0x3  }
0x36: {  	v12 =	vld [tilespmem:$0x140]  }
0x37: {  	[tilespmem:$0x4A0] =	vst v10  }
0x38: {  	v11 =	vld.idx.msk [tilespmem:v11+s2+$0x0], $0xffff;
	_ =	sdelay $0x3  }
0x39: {  	v13 =	vld [tilespmem:$0x150]  }
0x3a: {  	[tilespmem:$0x4B0] =	vst v11  }
0x3b: {  	v12 =	vld.idx.msk [tilespmem:v12+s2+$0x0], $0xffff;
	_ =	sdelay $0x3  }
0x3c: {  	v14 =	vld [tilespmem:$0x160]  }
0x3d: {  	[tilespmem:$0x4C0] =	vst v12  }
0x3e: {  	v13 =	vld.idx.msk [tilespmem:v13+s2+$0x0], $0xffff;
	_ =	sdelay $0x3  }
0x3f: {  	v15 =	vld [tilespmem:$0x170]  }
0x40: {  	[tilespmem:$0x4D0] =	vst v13  }
0x41: {  	v14 =	vld.idx.msk [tilespmem:v14+s2+$0x0], $0xffff;
	_ =	sdelay $0x3  }
0x42: {  	v16 =	vld [tilespmem:$0x180]  }
0x43: {  	[tilespmem:$0x4E0] =	vst v14  }
0x44: {  	v15 =	vld.idx.msk [tilespmem:v15+s2+$0x0], $0xffff;
	_ =	sdelay $0x3  }
0x45: {  	v17 =	vld [tilespmem:$0x190]  }
0x46: {  	[tilespmem:$0x4F0] =	vst v15  }
0x47: {  	v16 =	vld.idx.msk [tilespmem:v16+s2+$0x0], $0xffff;
	_ =	sdelay $0x3  }
0x48: {  	v18 =	vld [tilespmem:$0x1A0]  }
0x49: {  	[tilespmem:$0x500] =	vst v16  }
0x4a: {  	v17 =	vld.idx.msk [tilespmem:v17+s2+$0x0], $0xffff;
	_ =	sdelay $0x3  }
0x4b: {  	v19 =	vld [tilespmem:$0x1B0]  }
0x4c: {  	[tilespmem:$0x510] =	vst v17  }
0x4d: {  	v18 =	vld.idx.msk [tilespmem:v18+s2+$0x0], $0xffff;
	_ =	sdelay $0x3  }
0x4e: {  	v20 =	vld [tilespmem:$0x1C0]  }
0x4f: {  	[tilespmem:$0x520] =	vst v18  }
0x50: {  	v19 =	vld.idx.msk [tilespmem:v19+s2+$0x0], $0xffff;
	_ =	sdelay $0x3  }
0x51: {  	v21 =	vld [tilespmem:$0x1D0]  }
0x52: {  	[tilespmem:$0x530] =	vst v19  }
0x53: {  	v20 =	vld.idx.msk [tilespmem:v20+s2+$0x0], $0xffff;
	_ =	sdelay $0x3  }
0x54: {  	v22 =	vld [tilespmem:$0x1E0]  }
0x55: {  	[tilespmem:$0x540] =	vst v20  }
0x56: {  	v21 =	vld.idx.msk [tilespmem:v21+s2+$0x0], $0xffff;
	_ =	sdelay $0x3  }
0x57: {  	v23 =	vld [tilespmem:$0x1F0]  }
0x58: {  	[tilespmem:$0x550] =	vst v21  }
0x59: {  	v22 =	vld.idx.msk [tilespmem:v22+s2+$0x0], $0xffff;
	_ =	sdelay $0x3  }
0x5a: {  	v24 =	vld [tilespmem:$0x200]  }
0x5b: {  	[tilespmem:$0x560] =	vst v22  }
0x5c: {  	v23 =	vld.idx.msk [tilespmem:v23+s2+$0x0], $0xffff;
	_ =	sdelay $0x3  }
0x5d: {  	v25 =	vld [tilespmem:$0x210]  }
0x5e: {  	[tilespmem:$0x570] =	vst v23  }
0x5f: {  	v24 =	vld.idx.msk [tilespmem:v24+s2+$0x0], $0xffff;
	_ =	sdelay $0x3  }
0x60: {  	v26 =	vld [tilespmem:$0x220]  }
0x61: {  	[tilespmem:$0x580] =	vst v24  }
0x62: {  	v25 =	vld.idx.msk [tilespmem:v25+s2+$0x0], $0xffff;
	_ =	sdelay $0x3  }
0x63: {  	v27 =	vld [tilespmem:$0x230]  }
0x64: {  	[tilespmem:$0x590] =	vst v25  }
0x65: {  	v26 =	vld.idx.msk [tilespmem:v26+s2+$0x0], $0xffff;
	_ =	sdelay $0x3  }
0x66: {  	v28 =	vld [tilespmem:$0x240]  }
0x67: {  	[tilespmem:$0x5A0] =	vst v26  }
0x68: {  	v27 =	vld.idx.msk [tilespmem:v27+s2+$0x0], $0xffff;
	_ =	sdelay $0x3  }
0x69: {  	v29 =	vld [tilespmem:$0x250]  }
0x6a: {  	[tilespmem:$0x5B0] =	vst v27  }
0x6b: {  	v28 =	vld.idx.msk [tilespmem:v28+s2+$0x0], $0xffff;
	_ =	sdelay $0x3  }
0x6c: {  	v30 =	vld [tilespmem:$0x260]  }
0x6d: {  	[tilespmem:$0x5C0] =	vst v28  }
0x6e: {  	v29 =	vld.idx.msk [tilespmem:v29+s2+$0x0], $0xffff;
	_ =	sdelay $0x3  }
0x6f: {  	v31 =	vld [tilespmem:$0x270]  }
0x70: {  	[tilespmem:$0x5D0] =	vst v29  }
0x71: {  	v30 =	vld.idx.msk [tilespmem:v30+s2+$0x0], $0xffff;
	_ =	sdelay $0x3  }
0x72: {  	v32 =	vld [tilespmem:$0x280]  }
0x73: {  	[tilespmem:$0x5E0] =	vst v30  }
0x74: {  	v31 =	vld.idx.msk [tilespmem:v31+s2+$0x0], $0xffff;
	_ =	sdelay $0x3  }
0x75: {  	v33 =	vld [tilespmem:$0x290]  }
0x76: {  	[tilespmem:$0x5F0] =	vst v31  }
0x77: {  	v32 =	vld.idx.msk [tilespmem:v32+s2+$0x0], $0xffff;
	_ =	sdelay $0x3  }
0x78: {  	v34 =	vld [tilespmem:$0x2A0]  }
0x79: {  	[tilespmem:$0x600] =	vst v32  }
0x7a: {  	v33 =	vld.idx.msk [tilespmem:v33+s2+$0x0], $0xffff;
	_ =	sdelay $0x3  }
0x7b: {  	v35 =	vld [tilespmem:$0x2B0]  }
0x7c: {  	[tilespmem:$0x610] =	vst v33  }
0x7d: {  	v34 =	vld.idx.msk [tilespmem:v34+s2+$0x0], $0xffff;
	_ =	sdelay $0x3  }
0x7e: {  	v36 =	vld [tilespmem:$0x2C0]  }
0x7f: {  	[tilespmem:$0x620] =	vst v34  }
0x80: {  	v35 =	vld.idx.msk [tilespmem:v35+s2+$0x0], $0xffff;
	_ =	sdelay $0x3  }
0x81: {  	v37 =	vld [tilespmem:$0x2D0]  }
0x82: {  	[tilespmem:$0x630] =	vst v35  }
0x83: {  	v36 =	vld.idx.msk [tilespmem:v36+s2+$0x0], $0xffff;
	_ =	sdelay $0x3  }
0x84: {  	v38 =	vld [tilespmem:$0x2E0]  }
0x85: {  	[tilespmem:$0x640] =	vst v36  }
0x86: {  	v37 =	vld.idx.msk [tilespmem:v37+s2+$0x0], $0xffff;
	_ =	sdelay $0x3  }
0x87: {  	v39 =	vld [tilespmem:$0x2F0]  }
0x88: {  	[tilespmem:$0x650] =	vst v37  }
0x89: {  	v38 =	vld.idx.msk [tilespmem:v38+s2+$0x0], $0xffff;
	_ =	sdelay $0x3  }
0x8a: {  	v40 =	vld [tilespmem:$0x300]  }
0x8b: {  	[tilespmem:$0x660] =	vst v38  }
0x8c: {  	v39 =	vld.idx.msk [tilespmem:v39+s2+$0x0], $0xffff;
	_ =	sdelay $0x3  }
0x8d: {  	v41 =	vld [tilespmem:$0x310]  }
0x8e: {  	[tilespmem:$0x670] =	vst v39  }
0x8f: {  	v40 =	vld.idx.msk [tilespmem:v40+s2+$0x0], $0xffff;
	_ =	sdelay $0x3  }
0x90: {  	v42 =	vld [tilespmem:$0x320]  }
0x91: {  	[tilespmem:$0x680] =	vst v40  }
0x92: {  	v41 =	vld.idx.msk [tilespmem:v41+s2+$0x0], $0xffff;
	_ =	sdelay $0x3  }
0x93: {  	v43 =	vld [tilespmem:$0x330]  }
0x94: {  	[tilespmem:$0x690] =	vst v41  }
0x95: {  	v42 =	vld.idx.msk [tilespmem:v42+s2+$0x0], $0xffff;
	_ =	sdelay $0x3  }
0x96: {  	v44 =	vld [tilespmem:$0x340]  }
0x97: {  	[tilespmem:$0x6A0] =	vst v42  }
0x98: {  	v43 =	vld.idx.msk [tilespmem:v43+s2+$0x0], $0xffff;
	_ =	sdelay $0x3  }
0x99: {  	v45 =	vld [tilespmem:$0x350]  }
0x9a: {  	[tilespmem:$0x6B0] =	vst v43  }
0x9b: {  	v44 =	vld.idx.msk [tilespmem:v44+s2+$0x0], $0xffff;
	_ =	sdelay $0x3  }
0x9c: {  	v46 =	vld [tilespmem:$0x360]  }
0x9d: {  	[tilespmem:$0x6C0] =	vst v44  }
0x9e: {  	v45 =	vld.idx.msk [tilespmem:v45+s2+$0x0], $0xffff;
	_ =	sdelay $0x3  }
0x9f: {  	v47 =	vld [tilespmem:$0x370]  }
0xa0: {  	[tilespmem:$0x6D0] =	vst v45  }
0xa1: {  	v46 =	vld.idx.msk [tilespmem:v46+s2+$0x0], $0xffff;
	_ =	sdelay $0x3  }
0xa2: {  	v48 =	vld [tilespmem:$0x380]  }
0xa3: {  	[tilespmem:$0x6E0] =	vst v46  }
0xa4: {  	v47 =	vld.idx.msk [tilespmem:v47+s2+$0x0], $0xffff;
	_ =	sdelay $0x3  }
0xa5: {  	v49 =	vld [tilespmem:$0x390]  }
0xa6: {  	[tilespmem:$0x6F0] =	vst v47  }
0xa7: {  	v48 =	vld.idx.msk [tilespmem:v48+s2+$0x0], $0xffff;
	_ =	sdelay $0x3  }
0xa8: {  	v50 =	vld [tilespmem:$0x3A0]  }
0xa9: {  	[tilespmem:$0x700] =	vst v48  }
0xaa: {  	v49 =	vld.idx.msk [tilespmem:v49+s2+$0x0], $0xffff;
	_ =	sdelay $0x3  }
0xab: {  	v51 =	vld [tilespmem:$0x3B0]  }
0xac: {  	[tilespmem:$0x710] =	vst v49  }
0xad: {  	v50 =	vld.idx.msk [tilespmem:v50+s2+$0x0], $0xffff;
	_ =	sdelay $0x3  }
0xae: {  	v52 =	vld [tilespmem:$0x3C0]  }
0xaf: {  	[tilespmem:$0x720] =	vst v50  }
0xb0: {  	v51 =	vld.idx.msk [tilespmem:v51+s2+$0x0], $0xffff;
	_ =	sdelay $0x3  }
0xb1: {  	v53 =	vld [tilespmem:$0x3D0]  }
0xb2: {  	[tilespmem:$0x730] =	vst v51  }
0xb3: {  	v52 =	vld.idx.msk [tilespmem:v52+s2+$0x0], $0xffff;
	_ =	sdelay $0x3  }
0xb4: {  	v54 =	vld [tilespmem:$0x3E0]  }
0xb5: {  	[tilespmem:$0x740] =	vst v52  }
0xb6: {  	v53 =	vld.idx.msk [tilespmem:v53+s2+$0x0], $0xffff;
	_ =	sdelay $0x4  }
0xb7: {  	[tilespmem:$0x750] =	vst v53  }
0xb8: {  	v54 =	vld.idx.msk [tilespmem:v54+s2+$0x0], $0xffff;
	[tilespmem:$0x770] =	vst v0  }
0xb9: {  	[tilespmem:$0x780] =	vst v1  }
0xba: {  	[tilespmem:$0x790] =	vst v2  }
0xbb: {  	[tilespmem:$0x7A0] =	vst v3  }
0xbc: {  	[tilespmem:$0x7B0] =	vst v4  }
0xbd: {  	[tilespmem:$0x7C0] =	vst v5  }
0xbe: {  	[tilespmem:$0x7D0] =	vst v6  }
0xbf: {  	[tilespmem:$0x7E0] =	vst v7  }
0xc0: {  	[tilespmem:$0x7F0] =	vst v8  }
0xc1: {  	[tilespmem:$0x800] =	vst v9  }
0xc2: {  	[tilespmem:$0x810] =	vst v10  }
0xc3: {  	[tilespmem:$0x820] =	vst v11  }
0xc4: {  	[tilespmem:$0x830] =	vst v12  }
0xc5: {  	[tilespmem:$0x840] =	vst v13  }
0xc6: {  	[tilespmem:$0x850] =	vst v14  }
0xc7: {  	[tilespmem:$0x860] =	vst v15  }
0xc8: {  	[tilespmem:$0x870] =	vst v16  }
0xc9: {  	[tilespmem:$0x880] =	vst v17  }
0xca: {  	[tilespmem:$0x890] =	vst v18  }
0xcb: {  	[tilespmem:$0x8A0] =	vst v19  }
0xcc: {  	[tilespmem:$0x8B0] =	vst v20  }
0xcd: {  	[tilespmem:$0x8C0] =	vst v21  }
0xce: {  	[tilespmem:$0x8D0] =	vst v22  }
0xcf: {  	[tilespmem:$0x8E0] =	vst v23  }
0xd0: {  	[tilespmem:$0x8F0] =	vst v24  }
0xd1: {  	[tilespmem:$0x900] =	vst v25  }
0xd2: {  	[tilespmem:$0x910] =	vst v26  }
0xd3: {  	[tilespmem:$0x920] =	vst v27  }
0xd4: {  	[tilespmem:$0x930] =	vst v28  }
0xd5: {  	[tilespmem:$0x940] =	vst v29  }
0xd6: {  	[tilespmem:$0x950] =	vst v30  }
0xd7: {  	[tilespmem:$0x960] =	vst v31  }
0xd8: {  	[tilespmem:$0x970] =	vst v32  }
0xd9: {  	[tilespmem:$0x980] =	vst v33  }
0xda: {  	[tilespmem:$0x990] =	vst v34  }
0xdb: {  	[tilespmem:$0x9A0] =	vst v35  }
0xdc: {  	[tilespmem:$0x9B0] =	vst v36  }
0xdd: {  	[tilespmem:$0x9C0] =	vst v37  }
0xde: {  	[tilespmem:$0x9D0] =	vst v38  }
0xdf: {  	[tilespmem:$0x9E0] =	vst v39  }
0xe0: {  	[tilespmem:$0x9F0] =	vst v40  }
0xe1: {  	[tilespmem:$0xA00] =	vst v41  }
0xe2: {  	[tilespmem:$0xA10] =	vst v42  }
0xe3: {  	[tilespmem:$0xA20] =	vst v43  }
0xe4: {  	[tilespmem:$0xA30] =	vst v44  }
0xe5: {  	[tilespmem:$0xA40] =	vst v45  }
0xe6: {  	[tilespmem:$0xA50] =	vst v46  }
0xe7: {  	[tilespmem:$0xA60] =	vst v47  }
0xe8: {  	[tilespmem:$0xA70] =	vst v48  }
0xe9: {  	[tilespmem:$0xA80] =	vst v49  }
0xea: {  	[tilespmem:$0xA90] =	vst v50  }
0xeb: {  	[tilespmem:$0xAA0] =	vst v51  }
0xec: {  	[tilespmem:$0xAB0] =	vst v52  }
0xed: {  	[tilespmem:$0xAC0] =	vst v53  }
0xee: {  	[tilespmem:$0x760] =	vst v54  }
0xef: {  	s19 =	simm.s32 $0x0;
	[tilespmem:$0xAD0] =	vst v54  }
0xf0: {  	v0 =	vld [tilespmem:s19+$0x410]  }
0xf1: {  	s20 =	simm.s32 $0x80;
	v1 =	vld [tilespmem:s19+$0x400]  }
.LBB2_2:
0xf2: {  	p0 =	sne.s32 s20, $0x1B00  }
.Ltmp0:
0xf3: {  	_ = 	snop;
	(pc) =	sbr.rel @p0 .LBB2_2-.Ltmp0, $4  }
0xf4: {  	_ = 	snop  }
0xf5: {  	s21 =	sshra.s32 s20, $0x2;
	s20 =	sadd.s32 $0x80, s20;
	[tilespmem:s19+$0xAF0] =	vst v0  }
0xf6: {  	v0 =	vld [tilespmem:s21+$0x410];
	[tilespmem:s19+$0xAE0] =	vst v1;
	s19 =	smov.u32 s21  }
0xf7: {  	v1 =	vld [tilespmem:s19+$0x400]  }
0xf8: {  	_ =	sdelay $0x2  }
0xf9: {  	[tilespmem:s19+$0xAF0] =	vst v0  }
0xfa: {  	[tilespmem:s19+$0xAE0] =	vst v1;
	s19 =	simm.s32 $0x20  }
0xfb: {  	v0 =	vld [tilespmem:s19+$0x410]  }
0xfc: {  	v1 =	vld [tilespmem:s19+$0x3E0]  }
0xfd: {  	v2 =	vld [tilespmem:s19+$0x3F0]  }
0xfe: {  	v3 =	vld [tilespmem:s19+$0x400]  }
0xff: {  	s20 =	simm.s32 $0x180  }
.LBB2_4:
0x100: {  	s21 =	sshra.s32 s20, $0x2;
	p0 =	sne.s32 s20, $0x3680;
	s20 =	sadd.s32 $0x100, s20;
	[tilespmem:s19+$0x11D0] =	vst v0  }
.Ltmp1:
0x101: {  	v0 =	vld [tilespmem:s21+$0x410];
	[tilespmem:s19+$0x11A0] =	vst v1;
	(pc) =	sbr.rel @p0 .LBB2_4-.Ltmp1, $3  }
0x102: {  	v1 =	vld [tilespmem:s21+$0x3E0];
	[tilespmem:s19+$0x11B0] =	vst v2  }
0x103: {  	v2 =	vld [tilespmem:s21+$0x3F0];
	[tilespmem:s19+$0x11C0] =	vst v3;
	s19 =	smov.u32 s21  }
0x104: {  	v3 =	vld [tilespmem:s19+$0x400];
	_ =	sdelay $0x1  }
0x105: {  	[tilespmem:s19+$0x11D0] =	vst v0  }
0x106: {  	[tilespmem:s19+$0x11A0] =	vst v1  }
0x107: {  	[tilespmem:s19+$0x11B0] =	vst v2  }
0x108: {  	[tilespmem:s19+$0x11C0] =	vst v3;
	s19 =	simm.s32 $0x40  }
0x109: {  	v3 =	vld [tilespmem:s19+$0x430]  }
0x10a: {  	v4 =	vld [tilespmem:s19+$0x3C0]  }
0x10b: {  	v5 =	vld [tilespmem:s19+$0x3D0]  }
0x10c: {  	v2 =	vld [tilespmem:s19+$0x3E0]  }
0x10d: {  	v0 =	vld [tilespmem:s19+$0x3F0]  }
0x10e: {  	v1 =	vld [tilespmem:s19+$0x400];
	[tilespmem:s19+$0x1FB0] =	vst v3  }
0x10f: {  	[tilespmem:s19+$0x1F40] =	vst v4;
	v3 =	vld [tilespmem:s19+$0x410]  }
0x110: {  	s20 =	simm.s32 $0xC0;
	s22 =	simm.s32 $0x500;
	s21 =	simm.s32 $0x40;
	[tilespmem:s19+$0x1F50] =	vst v5;
	v4 =	vld [tilespmem:s19+$0x420]  }
.LBB2_6:
0x111: {  	p0 =	sne.s32 s22, $0x6D00;
	v5 =	vld [tilespmem:s20+$0x430];
	[tilespmem:s21+$0x1F60] =	vst v2  }
0x112: {  	v6 =	vld [tilespmem:s20+$0x3C0];
	[tilespmem:s21+$0x1F70] =	vst v0  }
0x113: {  	v7 =	vld [tilespmem:s20+$0x3D0];
	[tilespmem:s21+$0x1F80] =	vst v1  }
.Ltmp2:
0x114: {  	v2 =	vld [tilespmem:s20+$0x3E0];
	[tilespmem:s21+$0x1F90] =	vst v3;
	(pc) =	sbr.rel @p0 .LBB2_6-.Ltmp2, $4  }
0x115: {  	v0 =	vld [tilespmem:s20+$0x3F0];
	[tilespmem:s21+$0x1FA0] =	vst v4;
	s21 =	smov.u32 s20  }
0x116: {  	v1 =	vld [tilespmem:s21+$0x400];
	[tilespmem:s21+$0x1FB0] =	vst v5  }
0x117: {  	[tilespmem:s21+$0x1F40] =	vst v6;
	v3 =	vld [tilespmem:s21+$0x410]  }
0x118: {  	s20 =	sshra.s32 s22, $0x2;
	s22 =	sadd.s32 $0x200, s22;
	[tilespmem:s21+$0x1F50] =	vst v7;
	v4 =	vld [tilespmem:s21+$0x420]  }
0x119: {  	v5 =	vld [tilespmem:s20+$0x430];
	[tilespmem:s21+$0x1F60] =	vst v2  }
0x11a: {  	v2 =	vld [tilespmem:s20+$0x3C0];
	[tilespmem:s21+$0x1F70] =	vst v0  }
0x11b: {  	v0 =	vld [tilespmem:s20+$0x3D0];
	[tilespmem:s21+$0x1F80] =	vst v1  }
0x11c: {  	v1 =	vld [tilespmem:s20+$0x3E0];
	[tilespmem:s21+$0x1F90] =	vst v3  }
0x11d: {  	v3 =	vld [tilespmem:s20+$0x3F0];
	[tilespmem:s21+$0x1FA0] =	vst v4  }
0x11e: {  	v4 =	vld [tilespmem:s20+$0x400];
	[tilespmem:s20+$0x1FB0] =	vst v5  }
0x11f: {  	[tilespmem:s20+$0x1F40] =	vst v2;
	v2 =	vld [tilespmem:s20+$0x410]  }
0x120: {  	[tilespmem:s20+$0x1F50] =	vst v0;
	v0 =	vld [tilespmem:s20+$0x420]  }
0x121: {  	[tilespmem:s20+$0x1F60] =	vst v1  }
0x122: {  	[tilespmem:s20+$0x1F70] =	vst v3  }
0x123: {  	[tilespmem:s20+$0x1F80] =	vst v4  }
0x124: {  	[tilespmem:s20+$0x1F90] =	vst v2  }
0x125: {  	[tilespmem:s20+$0x1FA0] =	vst v0  }
0x126: {  	v3 =	vld [tilespmem:s19+$0x430]  }
0x127: {  	v4 =	vld [tilespmem:s19+$0x3C0]  }
0x128: {  	v5 =	vld [tilespmem:s19+$0x3D0]  }
0x129: {  	v2 =	vld [tilespmem:s19+$0x3E0]  }
0x12a: {  	v0 =	vld [tilespmem:s19+$0x3F0]  }
0x12b: {  	v1 =	vld [tilespmem:s19+$0x400];
	[tilespmem:s19+$0x3B30] =	vst v3  }
0x12c: {  	[tilespmem:s19+$0x3AC0] =	vst v4;
	v3 =	vld [tilespmem:s19+$0x410]  }
0x12d: {  	s21 =	simm.s32 $0x500;
	s20 =	simm.s32 $0xC0;
	[tilespmem:s19+$0x3AD0] =	vst v5;
	v4 =	vld [tilespmem:s19+$0x420]  }
.LBB2_8:
0x12e: {  	p0 =	sne.s32 s21, $0xDB00;
	v5 =	vld [tilespmem:s20+$0x430];
	[tilespmem:s19+$0x3AE0] =	vst v2  }
0x12f: {  	v6 =	vld [tilespmem:s20+$0x3C0];
	[tilespmem:s19+$0x3AF0] =	vst v0  }
0x130: {  	v7 =	vld [tilespmem:s20+$0x3D0];
	[tilespmem:s19+$0x3B00] =	vst v1  }
.Ltmp3:
0x131: {  	v2 =	vld [tilespmem:s20+$0x3E0];
	[tilespmem:s19+$0x3B10] =	vst v3;
	(pc) =	sbr.rel @p0 .LBB2_8-.Ltmp3, $4  }
0x132: {  	v0 =	vld [tilespmem:s20+$0x3F0];
	[tilespmem:s19+$0x3B20] =	vst v4;
	s19 =	smov.u32 s20  }
0x133: {  	v1 =	vld [tilespmem:s19+$0x400];
	[tilespmem:s19+$0x3B30] =	vst v5  }
0x134: {  	[tilespmem:s19+$0x3AC0] =	vst v6;
	v3 =	vld [tilespmem:s19+$0x410]  }
0x135: {  	s20 =	sshra.s32 s21, $0x2;
	s21 =	sadd.s32 $0x200, s21;
	[tilespmem:s19+$0x3AD0] =	vst v7;
	v4 =	vld [tilespmem:s19+$0x420]  }
0x136: {  	v5 =	vld [tilespmem:s20+$0x430];
	[tilespmem:s19+$0x3AE0] =	vst v2  }
0x137: {  	v2 =	vld [tilespmem:s20+$0x3C0];
	[tilespmem:s19+$0x3AF0] =	vst v0  }
0x138: {  	v0 =	vld [tilespmem:s20+$0x3D0];
	[tilespmem:s19+$0x3B00] =	vst v1  }
0x139: {  	v1 =	vld [tilespmem:s20+$0x3E0];
	[tilespmem:s19+$0x3B10] =	vst v3  }
0x13a: {  	v3 =	vld [tilespmem:s20+$0x3F0];
	[tilespmem:s19+$0x3B20] =	vst v4  }
0x13b: {  	v4 =	vld [tilespmem:s20+$0x400];
	[tilespmem:s20+$0x3B30] =	vst v5  }
0x13c: {  	v62 =	vld [tilespmem:s20+$0x410];
	[tilespmem:s20+$0x3AC0] =	vst v2  }
0x13d: {  	v63 =	vld [tilespmem:s20+$0x420];
	[tilespmem:s20+$0x3AD0] =	vst v0  }
0x13e: {  	[tilespmem:s20+$0x3AE0] =	vst v1  }
0x13f: {  	[tilespmem:s20+$0x3AF0] =	vst v3  }
0x140: {  	[tilespmem:s20+$0x3B00] =	vst v4  }
0x141: {  	[tilespmem:s20+$0x3B10] =	vst v62  }
0x142: {  	[tilespmem:s20+$0x3B20] =	vst v63  }
0x143: {  	[hbm4b:s5+s2] =	stream.linear.scatter [tilespmem:s16], [sflag:$0x1], $0x6E00, $0x38;
	[tilespmem:$0x7200] =	vst v63  }
0x144: {  	_ = 	snop  }
0x145: {  	[hbm4b:s6+s2] =	stream.linear.scatter [tilespmem:s16], [sflag:$0x1], $0x6E00, $0x38;
	[tilespmem:$0x7200] =	vst v63  }
0x146: {  	_ = 	snop  }
0x147: {  	[hbm4b:s7+s2] =	stream.linear.scatter [tilespmem:s16], [sflag:$0x1], $0x6E00, $0x38;
	[tilespmem:$0x7200] =	vst v63  }
0x148: {  	_ = 	snop  }
0x149: {  	[hbm4b:s8+s2] =	stream.linear.scatter [tilespmem:s16], [sflag:$0x1], $0x6E00, $0x38;
	[tilespmem:$0x7200] =	vst v63  }
0x14a: {  	_ = 	snop  }
0x14b: {  	[hbm4b:s9+s2] =	stream.linear.scatter [tilespmem:s16], [sflag:$0x1], $0x6E00, $0x38;
	[tilespmem:$0x7200] =	vst v63  }
0x14c: {  	_ = 	snop  }
0x14d: {  	[hbm4b:s10+s2] =	stream.linear.scatter [tilespmem:s16], [sflag:$0x1], $0x6E00, $0x38;
	[tilespmem:$0x7200] =	vst v63  }
0x14e: {  	_ = 	snop  }
0x14f: {  	[hbm4b:s11+s2] =	stream.linear.scatter [tilespmem:s16], [sflag:$0x1], $0x6E00, $0x38;
	[tilespmem:$0x7200] =	vst v63  }
0x150: {  	_ = 	snop  }
0x151: {  	[hbm4b:s12+s2] =	stream.linear.scatter [tilespmem:s16], [sflag:$0x1], $0x6E00, $0x38;
	[tilespmem:$0x7200] =	vst v63  }
0x152: {  	_ =	swait.ge [sflag:s17], $0x6E00  }
0x153: {  	[sflag:s17] =	ssyncset.done $0x0  }
0x154: {  	[sflag:s17] =	ssyncadd.s32 $0xFFFF9200  }
0x155: {  	_ =	swait.ge [sflag:s17], $0x6E00  }
0x156: {  	[sflag:s17] =	ssyncset.done $0x0  }
0x157: {  	[sflag:s17] =	ssyncadd.s32 $0xFFFF9200  }
0x158: {  	_ =	swait.ge [sflag:s17], $0x6E00  }
0x159: {  	[sflag:s17] =	ssyncset.done $0x0  }
0x15a: {  	[sflag:s17] =	ssyncadd.s32 $0xFFFF9200  }
0x15b: {  	_ =	swait.ge [sflag:s17], $0x6E00  }
0x15c: {  	[sflag:s17] =	ssyncset.done $0x0  }
0x15d: {  	[sflag:s17] =	ssyncadd.s32 $0xFFFF9200  }
0x15e: {  	_ =	swait.ge [sflag:s17], $0x6E00  }
0x15f: {  	[sflag:s17] =	ssyncset.done $0x0  }
0x160: {  	[sflag:s17] =	ssyncadd.s32 $0xFFFF9200  }
0x161: {  	_ =	swait.ge [sflag:s17], $0x6E00  }
0x162: {  	[sflag:s17] =	ssyncset.done $0x0  }
0x163: {  	s18 =	sadd.s32 $0x1, s18;
	[sflag:s17] =	ssyncadd.s32 $0xFFFF9200  }
0x164: {  	p0 =	sne.s32 s18, s13;
	_ =	swait.ge [sflag:s17], $0x6E00  }
.Ltmp4:
0x165: {  	[sflag:s17] =	ssyncset.done $0x0;
	(pc) =	sbr.rel @p0 .LBB2_1-.Ltmp4, $4  }
0x166: {  	[sflag:s17] =	ssyncadd.s32 $0xFFFF9200  }
0x167: {  	_ =	swait.ge [sflag:s17], $0x6E00  }
0x168: {  	[sflag:s17] =	ssyncset.done $0x0  }
0x169: {  	[sflag:s17] =	ssyncadd.s32 $0xFFFF9200  }
0x16a: {  	_ =	sfence.sel $0x180000  }
0x16b: {  	[bflag:$0x0] =	sbarrier.arrive $0xFFFF  }
0x16c: {  	p0 =	sne.s32 s0, $0x0;
	_ =	strace $0x90000047  }
0x16d: {  	s0 =	sadd.s32 @!p0 $0x100000, s1;
	[bflag:$0x2] =	sbarrier.arrive $0xFFFF  }
0x16e: {  	[sflag:s0] =	ssyncadd.tile.s32 @!p0 $0x1;
	_ =	shalt  }
.Lfunc_end2:
_tile_overlayer_lowered:
.L_overlay_start_2:
0x16f: {  	(tag) =	ssettag $0x2  }
0x170: {  	s0 =	rddreg [dreg:$0x0];
	s2 =	stileid.u32  }
0x171: {  	s1 =	rddreg [dreg:$0x1];
	p0 =	sne.s32 s2, $0x0  }
0x172: {  	s3 =	rddreg [dreg:$0x2];
	[bflag:$0x3] =	sbarrier.arrive $0xFFFF;
	s2 =	simm.s32 @!p0 $0x1C02  }
0x173: {  	[timem:s3], [sflag:s2] =	dma.local @!p0 [hbm:s0], s1  }
0x174: {  	s0 =	simm.s32 @!p0 $0x2  }
0x175: {  	_ =	swait.ge @!p0 [sflag:s0], s1  }
0x176: {  	s1 =	ssub.s32 @!p0 $0x0, s1;
	[sflag:s0] =	ssyncset.done @!p0 $0x0  }
0x177: {  	[sflag:s0] =	ssyncadd.s32 @!p0 s1  }
0x178: {  	[bflag:$0x3] =	sbarrier.arrive $0xFFFF  }
0x179: {  	_ =	shalt  }

</sc_bundles>
